<compile_context>
chip_gen: v7x
topology: tpu7x:2x2x1
jax: 0.10.2.dev20260603
libtpu: 0.0.44.dev20260713+nightly
codegen_flags: <defaults>
</compile_context>

<pallas_src>
import functools

import jax
import jax.numpy as jnp
from jax import lax
from jax.experimental import pallas as pl
from jax.experimental.pallas import tpu as pltpu
from jax.experimental.pallas import tpu_sc as plsc

N_NODES = 10000
N_EDGES = 320000
IN_CH = 128
HIDDEN = 128
OUT_CH = 64
HALF = 64

NC = 2
NS = 16
CHUNK = 64
EPT = 20032
E_PAD = NS * EPT
BLKS = EPT // CHUNK
ACC_ROWS = 10240
ROWS_PER_TILE = ACC_ROWS // NS
ZROWS_PER_TILE = N_NODES // NS


def _make_edge_agg():
    mesh = plsc.VectorSubcoreMesh(core_axis_name="c", subcore_axis_name="s",
                                  num_cores=NC, num_subcores=NS)

    @functools.partial(
        pl.kernel,
        out_type=jax.ShapeDtypeStruct((NC, ACC_ROWS, HALF), jnp.float32),
        mesh=mesh,
        scratch_types=[
            pltpu.VMEM((BLKS, CHUNK), jnp.int32),
            pltpu.VMEM((BLKS, CHUNK), jnp.int32),
            pltpu.VMEM((2, CHUNK, HALF), jnp.float32),
            pltpu.VMEM_SHARED((N_NODES, HALF), jnp.float32),
            pltpu.VMEM_SHARED((ACC_ROWS, HALF), jnp.float32),
            pltpu.SemaphoreType.DMA,
        ],
        compiler_params=pltpu.CompilerParams(use_tc_tiling_on_sc=False),
    )
    def edge_agg(z_hbm, src_hbm, dst_hbm, zero_hbm, out_hbm,
                 src_v, dst_v, rows_v, z_sh, acc_sh, sem):
        cid = lax.axis_index("c")
        sid = lax.axis_index("s")

        zr0 = sid * ZROWS_PER_TILE
        pltpu.sync_copy(
            z_hbm.at[pl.ds(zr0, ZROWS_PER_TILE), pl.ds(cid * HALF, HALF)],
            z_sh.at[pl.ds(zr0, ZROWS_PER_TILE)])
        r0 = sid * ROWS_PER_TILE
        pltpu.sync_copy(zero_hbm.at[pl.ds(r0, ROWS_PER_TILE)],
                        acc_sh.at[pl.ds(r0, ROWS_PER_TILE)])
        b0 = sid * BLKS
        pltpu.sync_copy(src_hbm.at[pl.ds(b0, BLKS)], src_v)
        pltpu.sync_copy(dst_hbm.at[pl.ds(b0, BLKS)], dst_v)
        plsc.subcore_barrier()

        pltpu.async_copy(z_sh.at[src_v.at[0]], rows_v.at[0], sem)

        def body(j, carry):
            b = lax.rem(j, 2)
            pltpu.make_async_copy(z_sh.at[src_v.at[j]], rows_v.at[b],
                                  sem).wait()

            @pl.when(j + 1 < BLKS)
            def _():
                pltpu.async_copy(z_sh.at[src_v.at[j + 1]], rows_v.at[1 - b],
                                 sem)

            pltpu.sync_copy(rows_v.at[b], acc_sh.at[dst_v.at[j]], add=True)
            return carry

        lax.fori_loop(0, BLKS, body, 0)
        plsc.subcore_barrier()
        pltpu.sync_copy(acc_sh.at[pl.ds(r0, ROWS_PER_TILE)],
                        out_hbm.at[cid, pl.ds(r0, ROWS_PER_TILE)])

    return edge_agg


_EDGE_AGG = [None]


def _edge_agg():
    if _EDGE_AGG[0] is None:
        _EDGE_AGG[0] = _make_edge_agg()
    return _EDGE_AGG[0]


ROW_BLK = 1000
GRID = N_NODES // ROW_BLK


def _layer1_body(p0_ref, p1_ref, x_ref, wl_ref, wr_ref, b_ref, h_ref):
    agg = jnp.concatenate([p0_ref[0], p1_ref[0]], axis=1)
    pre = (jnp.dot(agg, wl_ref[...], preferred_element_type=jnp.float32)
           + b_ref[...]
           + jnp.dot(x_ref[...], wr_ref[...],
                     preferred_element_type=jnp.float32))
    h_ref[...] = jnp.maximum(pre, 0.0)


def _layer2_body(q0_ref, q1_ref, h_ref, wl_ref, wr_ref, b_ref, o_ref):
    agg = jnp.concatenate([q0_ref[0], q1_ref[0]], axis=1)
    v = (jnp.dot(agg, wl_ref[...], preferred_element_type=jnp.float32)
         + b_ref[...]
         + jnp.dot(h_ref[...], wr_ref[...],
                   preferred_element_type=jnp.float32))
    m = jnp.max(v, axis=1, keepdims=True)
    e = jnp.exp(v - m)
    o_ref[...] = e / jnp.sum(e, axis=1, keepdims=True)


def _layer1(p, x, wlT, wrT, b):
    return pl.pallas_call(
        _layer1_body,
        grid=(GRID,),
        in_specs=[
            pl.BlockSpec((1, ROW_BLK, HALF), lambda i: (0, i, 0)),
            pl.BlockSpec((1, ROW_BLK, HALF), lambda i: (1, i, 0)),
            pl.BlockSpec((ROW_BLK, IN_CH), lambda i: (i, 0)),
            pl.BlockSpec((IN_CH, HIDDEN), lambda i: (0, 0)),
            pl.BlockSpec((IN_CH, HIDDEN), lambda i: (0, 0)),
            pl.BlockSpec((1, HIDDEN), lambda i: (0, 0)),
        ],
        out_specs=pl.BlockSpec((ROW_BLK, HIDDEN), lambda i: (i, 0)),
        out_shape=jax.ShapeDtypeStruct((N_NODES, HIDDEN), jnp.float32),
    )(p, p, x, wlT, wrT, b)


def _layer2(q, h, wlT, wrT, b):
    return pl.pallas_call(
        _layer2_body,
        grid=(GRID,),
        in_specs=[
            pl.BlockSpec((1, ROW_BLK, HALF), lambda i: (0, i, 0)),
            pl.BlockSpec((1, ROW_BLK, HALF), lambda i: (1, i, 0)),
            pl.BlockSpec((ROW_BLK, HIDDEN), lambda i: (i, 0)),
            pl.BlockSpec((HIDDEN, OUT_CH), lambda i: (0, 0)),
            pl.BlockSpec((HIDDEN, OUT_CH), lambda i: (0, 0)),
            pl.BlockSpec((1, OUT_CH), lambda i: (0, 0)),
        ],
        out_specs=pl.BlockSpec((ROW_BLK, OUT_CH), lambda i: (i, 0)),
        out_shape=jax.ShapeDtypeStruct((N_NODES, OUT_CH), jnp.float32),
    )(q, q, h, wlT, wrT, b)


def kernel(x, edge_index, W1_l, b1_l, W1_r, W2_l, b2_l, W2_r):
    src = edge_index[0].astype(jnp.int32)
    dst = edge_index[1].astype(jnp.int32)
    pad = E_PAD - N_EDGES
    src_p = jnp.concatenate([src, jnp.zeros((pad,), jnp.int32)])
    dst_p = jnp.concatenate([dst, jnp.full((pad,), N_NODES, jnp.int32)])
    src_p = src_p.reshape(-1, CHUNK)
    dst_p = dst_p.reshape(-1, CHUNK)

    zero = jnp.zeros((ACC_ROWS, HALF), jnp.float32)
    agg = _edge_agg()
    p = agg(x, src_p, dst_p, zero)
    h = _layer1(p, x, W1_l.T, W1_r.T, b1_l.reshape(1, HIDDEN))
    q = agg(h, src_p, dst_p, zero)
    return _layer2(q, h, W2_l.T, W2_r.T, b2_l.reshape(1, OUT_CH))

# --- scband reference (transcript-rebuilt; emitter-appended) ---
"""Pipeline reference for scband-ugs-56994216018168 (READ-ONLY COPY).

The authoritative reference and input builder live on the scoring server;
editing this copy changes nothing except your own understanding.
"""

import jax, jax.numpy as jnp
import numpy as np

N_NODES = 10000
N_EDGES = 320000
IN_CH = 128      # FLAGS.nr_servers * 2, nr_servers = 64
HIDDEN = 128     # hidden_channels
OUT_CH = 64      # FLAGS.nr_servers


def setup_inputs(seed: int = 0) -> dict:
    key = jax.random.key(seed)
    ks = jax.random.split(key, 8)
    x = jax.random.normal(ks[0], (N_NODES, IN_CH), dtype=jnp.float32)
    edge_index = jax.random.randint(ks[1], (2, N_EDGES), 0, N_NODES, dtype=jnp.int64)
    # SAGEConv params: lin_l (with bias) applied to aggregated neighbors, lin_r (no bias) to root
    s1 = 1.0 / np.sqrt(IN_CH)
    s2 = 1.0 / np.sqrt(HIDDEN)
    W1_l = jax.random.uniform(ks[2], (HIDDEN, IN_CH), jnp.float32, -s1, s1)
    b1_l = jnp.zeros((HIDDEN,), dtype=jnp.float32)
    W1_r = jax.random.uniform(ks[3], (HIDDEN, IN_CH), jnp.float32, -s1, s1)
    W2_l = jax.random.uniform(ks[4], (OUT_CH, HIDDEN), jnp.float32, -s2, s2)
    b2_l = jnp.zeros((OUT_CH,), dtype=jnp.float32)
    W2_r = jax.random.uniform(ks[5], (OUT_CH, HIDDEN), jnp.float32, -s2, s2)
    return {"x": x, "edge_index": edge_index, "W1_l": W1_l, "b1_l": b1_l,
            "W1_r": W1_r, "W2_l": W2_l, "b2_l": b2_l, "W2_r": W2_r}


def _sage_conv(x, edge_index, W_l, b_l, W_r, num_nodes):
    # message: x_j from src, scatter-add to dst (aggr='add')
    src = edge_index[0]
    dst = edge_index[1]
    msgs = jnp.take(x, src, axis=0)
    agg = jax.ops.segment_sum(msgs, dst, num_segments=num_nodes)
    return agg @ W_l.T + b_l + x @ W_r.T


def reference(x, edge_index, W1_l, b1_l, W1_r, W2_l, b2_l, W2_r):
    h = _sage_conv(x, edge_index, W1_l, b1_l, W1_r, N_NODES)
    h = jax.nn.relu(h)  # FLAGS.activation_function == 'relu'
    # dropout skipped (eval mode: training=False)
    out = _sage_conv(h, edge_index, W2_l, b2_l, W2_r, N_NODES)
    return jax.nn.softmax(out, axis=1)

if __name__ == "__main__":
    import jax
    _d = setup_inputs()
    print(jax.jit(kernel)(*tuple(_d.values())))

</pallas_src>

<mosaic_0001>
#map = affine_map<(d0, d1) -> (0, 0)>
#map1 = affine_map<(d0, d1) -> (0, 0, 0)>
module attributes {stable_mosaic.version = 14 : i64} {
  func.func @edge_agg(%arg0: i32, %arg1: i32, %arg2: memref<10000x128xf32, #tpu.memory_space<hbm>>, %arg3: memref<5008x64xi32, #tpu.memory_space<hbm>>, %arg4: memref<5008x64xi32, #tpu.memory_space<hbm>>, %arg5: memref<10240x64xf32, #tpu.memory_space<hbm>>, %arg6: memref<2x10240x64xf32, #tpu.memory_space<hbm>>, %arg7: memref<313x64xi32, #tpu.memory_space<vmem>>, %arg8: memref<313x64xi32, #tpu.memory_space<vmem>>, %arg9: memref<2x64x64xf32, #tpu.memory_space<vmem>>, %arg10: memref<10000x64xf32, #tpu.memory_space<vmem_shared>>, %arg11: memref<10240x64xf32, #tpu.memory_space<vmem_shared>>, %arg12: memref<!tpu.dma_semaphore, #tpu.memory_space<semaphore_mem>>) attributes {dimension_semantics = [#tpu.dimension_semantics<core_parallel>, #tpu.dimension_semantics<subcore_parallel>], iteration_bounds = array<i64: 2, 16>, scalar_prefetch = 0 : i64, scratch_operands = 6 : i64, tpu.core_type = #tpu.core_type<sc_vector_subcore>, window_params = [{transform_indices = #map}, {transform_indices = #map}, {transform_indices = #map}, {transform_indices = #map}, {transform_indices = #map1}]} {
    %mul3A = arith.constant 625 : i32
    %mul3A_0 = arith.muli %arg1, %mul3A : i32
    %mul3A_1 = arith.constant 64 : i32
    %mul3A_2 = arith.muli %arg0, %mul3A_1 : i32
    "tpu.region"() ({
      %run_scoped3A = tpu.sem_alloc : memref<!tpu.dma_semaphore, #tpu.memory_space<semaphore_mem>>
      %dma_start3A_24 = arith.constant 0 : i32
      %dma_start3A_25 = tpu.memref_slice %arg10[%mul3A_0, %dma_start3A_24] : memref<10000x64xf32, #tpu.memory_space<vmem_shared>> -> memref<625x64xf32, #tpu.memory_space<vmem_shared>>
      %dma_start3A_26 = tpu.memref_slice %arg2[%mul3A_0, %mul3A_2] : memref<10000x128xf32, #tpu.memory_space<hbm>> -> memref<625x64xf32, #tpu.memory_space<hbm>>
      tpu.enqueue_dma source(%dma_start3A_26 : memref<625x64xf32, #tpu.memory_space<hbm>>) target(%dma_start3A_25 : memref<625x64xf32, #tpu.memory_space<vmem_shared>>) target_semaphore(%run_scoped3A : memref<!tpu.dma_semaphore, #tpu.memory_space<semaphore_mem>>)
      %dma_wait3A = arith.constant 0 : i32
      %dma_wait3A_27 = tpu.memref_slice %arg10[%mul3A_0, %dma_wait3A] : memref<10000x64xf32, #tpu.memory_space<vmem_shared>> -> memref<625x64xf32, #tpu.memory_space<vmem_shared>>
      %dma_wait3A_28 = tpu.memref_slice %arg2[%mul3A_0, %mul3A_2] : memref<10000x128xf32, #tpu.memory_space<hbm>> -> memref<625x64xf32, #tpu.memory_space<hbm>>
      tpu.wait_dma2 semaphore(%run_scoped3A : memref<!tpu.dma_semaphore, #tpu.memory_space<semaphore_mem>>) src(%dma_wait3A_28 : memref<625x64xf32, #tpu.memory_space<hbm>>) dst(%dma_wait3A_27 : memref<625x64xf32, #tpu.memory_space<vmem_shared>>)
      tpu.yield
    }) : () -> ()
    %mul3A_3 = arith.constant 640 : i32
    %mul3A_4 = arith.muli %arg1, %mul3A_3 : i32
    "tpu.region"() ({
      %run_scoped3A = tpu.sem_alloc : memref<!tpu.dma_semaphore, #tpu.memory_space<semaphore_mem>>
      %dma_start3A_24 = arith.constant 0 : i32
      %dma_start3A_25 = tpu.memref_slice %arg11[%mul3A_4, %dma_start3A_24] : memref<10240x64xf32, #tpu.memory_space<vmem_shared>> -> memref<640x64xf32, #tpu.memory_space<vmem_shared>>
      %dma_start3A_26 = arith.constant 0 : i32
      %dma_start3A_27 = tpu.memref_slice %arg5[%mul3A_4, %dma_start3A_26] : memref<10240x64xf32, #tpu.memory_space<hbm>> -> memref<640x64xf32, #tpu.memory_space<hbm>>
      tpu.enqueue_dma source(%dma_start3A_27 : memref<640x64xf32, #tpu.memory_space<hbm>>) target(%dma_start3A_25 : memref<640x64xf32, #tpu.memory_space<vmem_shared>>) target_semaphore(%run_scoped3A : memref<!tpu.dma_semaphore, #tpu.memory_space<semaphore_mem>>)
      %dma_wait3A = arith.constant 0 : i32
      %dma_wait3A_28 = tpu.memref_slice %arg11[%mul3A_4, %dma_wait3A] : memref<10240x64xf32, #tpu.memory_space<vmem_shared>> -> memref<640x64xf32, #tpu.memory_space<vmem_shared>>
      %dma_wait3A_29 = arith.constant 0 : i32
      %dma_wait3A_30 = tpu.memref_slice %arg5[%mul3A_4, %dma_wait3A_29] : memref<10240x64xf32, #tpu.memory_space<hbm>> -> memref<640x64xf32, #tpu.memory_space<hbm>>
      tpu.wait_dma2 semaphore(%run_scoped3A : memref<!tpu.dma_semaphore, #tpu.memory_space<semaphore_mem>>) src(%dma_wait3A_30 : memref<640x64xf32, #tpu.memory_space<hbm>>) dst(%dma_wait3A_28 : memref<640x64xf32, #tpu.memory_space<vmem_shared>>)
      tpu.yield
    }) : () -> ()
    %mul3A_5 = arith.constant 313 : i32
    %mul3A_6 = arith.muli %arg1, %mul3A_5 : i32
    "tpu.region"() ({
      %run_scoped3A = tpu.sem_alloc : memref<!tpu.dma_semaphore, #tpu.memory_space<semaphore_mem>>
      %dma_start3A_24 = arith.constant 0 : i32
      %dma_start3A_25 = tpu.memref_slice %arg3[%mul3A_6, %dma_start3A_24] : memref<5008x64xi32, #tpu.memory_space<hbm>> -> memref<313x64xi32, #tpu.memory_space<hbm>>
      %dma_start3A_26 = arith.constant 0 : i32
      %dma_start3A_27 = tpu.memref_slice %arg3[%mul3A_6, %dma_start3A_26] : memref<5008x64xi32, #tpu.memory_space<hbm>> -> memref<313x64xi32, #tpu.memory_space<hbm>>
      tpu.enqueue_dma source(%dma_start3A_27 : memref<313x64xi32, #tpu.memory_space<hbm>>) target(%arg7 : memref<313x64xi32, #tpu.memory_space<vmem>>) target_semaphore(%run_scoped3A : memref<!tpu.dma_semaphore, #tpu.memory_space<semaphore_mem>>)
      %dma_wait3A = arith.constant 0 : i32
      %dma_wait3A_28 = tpu.memref_slice %arg3[%mul3A_6, %dma_wait3A] : memref<5008x64xi32, #tpu.memory_space<hbm>> -> memref<313x64xi32, #tpu.memory_space<hbm>>
      %dma_wait3A_29 = arith.constant 0 : i32
      %dma_wait3A_30 = tpu.memref_slice %arg3[%mul3A_6, %dma_wait3A_29] : memref<5008x64xi32, #tpu.memory_space<hbm>> -> memref<313x64xi32, #tpu.memory_space<hbm>>
      tpu.wait_dma2 semaphore(%run_scoped3A : memref<!tpu.dma_semaphore, #tpu.memory_space<semaphore_mem>>) src(%dma_wait3A_30 : memref<313x64xi32, #tpu.memory_space<hbm>>) dst(%arg7 : memref<313x64xi32, #tpu.memory_space<vmem>>)
      tpu.yield
    }) : () -> ()
    "tpu.region"() ({
      %run_scoped3A = tpu.sem_alloc : memref<!tpu.dma_semaphore, #tpu.memory_space<semaphore_mem>>
      %dma_start3A_24 = arith.constant 0 : i32
      %dma_start3A_25 = tpu.memref_slice %arg4[%mul3A_6, %dma_start3A_24] : memref<5008x64xi32, #tpu.memory_space<hbm>> -> memref<313x64xi32, #tpu.memory_space<hbm>>
      %dma_start3A_26 = arith.constant 0 : i32
      %dma_start3A_27 = tpu.memref_slice %arg4[%mul3A_6, %dma_start3A_26] : memref<5008x64xi32, #tpu.memory_space<hbm>> -> memref<313x64xi32, #tpu.memory_space<hbm>>
      tpu.enqueue_dma source(%dma_start3A_27 : memref<313x64xi32, #tpu.memory_space<hbm>>) target(%arg8 : memref<313x64xi32, #tpu.memory_space<vmem>>) target_semaphore(%run_scoped3A : memref<!tpu.dma_semaphore, #tpu.memory_space<semaphore_mem>>)
      %dma_wait3A = arith.constant 0 : i32
      %dma_wait3A_28 = tpu.memref_slice %arg4[%mul3A_6, %dma_wait3A] : memref<5008x64xi32, #tpu.memory_space<hbm>> -> memref<313x64xi32, #tpu.memory_space<hbm>>
      %dma_wait3A_29 = arith.constant 0 : i32
      %dma_wait3A_30 = tpu.memref_slice %arg4[%mul3A_6, %dma_wait3A_29] : memref<5008x64xi32, #tpu.memory_space<hbm>> -> memref<313x64xi32, #tpu.memory_space<hbm>>
      tpu.wait_dma2 semaphore(%run_scoped3A : memref<!tpu.dma_semaphore, #tpu.memory_space<semaphore_mem>>) src(%dma_wait3A_30 : memref<313x64xi32, #tpu.memory_space<hbm>>) dst(%arg8 : memref<313x64xi32, #tpu.memory_space<vmem>>)
      tpu.yield
    }) : () -> ()
    %barrier3A = arith.constant 0 : index
    tpu.barrier barrier_id(%barrier3A)
    %dma_start3A = arith.constant 0 : i32
    %dma_start3A_7 = arith.constant 0 : i32
    %dma_start3A_8 = arith.constant 0 : i32
    %dma_start3A_9 = arith.constant 0 : i32
    %dma_start3A_10 = tpu.memref_slice %arg9[%dma_start3A_7, %dma_start3A_8, %dma_start3A_9] : memref<2x64x64xf32, #tpu.memory_space<vmem>> -> memref<1x64x64xf32, #tpu.memory_space<vmem>>
    %dma_start3A_11 = tpu.memref_squeeze %dma_start3A_10 : memref<1x64x64xf32, #tpu.memory_space<vmem>> -> memref<64x64xf32, #tpu.memory_space<vmem>>
    %dma_start3A_12 = arith.constant 0 : i32
    %dma_start3A_13 = tpu.memref_slice %arg7[%dma_start3A, %dma_start3A_12] : memref<313x64xi32, #tpu.memory_space<vmem>> -> memref<1x64xi32, #tpu.memory_space<vmem>>
    %dma_start3A_14 = tpu.memref_squeeze %dma_start3A_13 : memref<1x64xi32, #tpu.memory_space<vmem>> -> memref<64xi32, #tpu.memory_space<vmem>>
    %dma_start3A_15 = arith.constant 0 : i32
    %dma_start3A_16 = arith.constant 0 : i32
    %dma_start3A_17 = tpu.memref_slice %arg10[%dma_start3A_15, %dma_start3A_16] : memref<10000x64xf32, #tpu.memory_space<vmem_shared>> -> memref<10000x64xf32, #tpu.memory_space<vmem_shared>>
    tpu.enqueue_indirect_dma source(%dma_start3A_17 : memref<10000x64xf32, #tpu.memory_space<vmem_shared>>) target(%dma_start3A_11 : memref<64x64xf32, #tpu.memory_space<vmem>>) offsets(%dma_start3A_14 : memref<64xi32, #tpu.memory_space<vmem>>) semaphore(%arg12 : memref<!tpu.dma_semaphore, #tpu.memory_space<semaphore_mem>>)
    %scan3A = arith.constant 0 : i32
    %scan3A_18 = arith.constant 0 : i32
    %scan3A_19 = arith.constant 313 : i32
    %scan3A_20 = arith.addi %scan3A_18, %scan3A_19 : i32
    %scan3A_21 = arith.constant 1 : i32
    scf.for %scan3A_24 = %scan3A_18 to %scan3A_20 step %scan3A_21  : i32 {
      %rem3A = arith.constant 2 : i32
      %rem3A_25 = arith.remsi %scan3A_24, %rem3A : i32
      %dma_wait3A = arith.constant 0 : i32
      %dma_wait3A_26 = arith.constant 0 : i32
      %dma_wait3A_27 = tpu.memref_slice %arg9[%rem3A_25, %dma_wait3A, %dma_wait3A_26] : memref<2x64x64xf32, #tpu.memory_space<vmem>> -> memref<1x64x64xf32, #tpu.memory_space<vmem>>
      %dma_wait3A_28 = tpu.memref_squeeze %dma_wait3A_27 : memref<1x64x64xf32, #tpu.memory_space<vmem>> -> memref<64x64xf32, #tpu.memory_space<vmem>>
      %dma_wait3A_29 = arith.constant 0 : i32
      %dma_wait3A_30 = tpu.memref_slice %arg7[%scan3A_24, %dma_wait3A_29] : memref<313x64xi32, #tpu.memory_space<vmem>> -> memref<1x64xi32, #tpu.memory_space<vmem>>
      %dma_wait3A_31 = tpu.memref_squeeze %dma_wait3A_30 : memref<1x64xi32, #tpu.memory_space<vmem>> -> memref<64xi32, #tpu.memory_space<vmem>>
      %dma_wait3A_32 = arith.constant 0 : i32
      %dma_wait3A_33 = arith.constant 0 : i32
      %dma_wait3A_34 = tpu.memref_slice %arg10[%dma_wait3A_32, %dma_wait3A_33] : memref<10000x64xf32, #tpu.memory_space<vmem_shared>> -> memref<10000x64xf32, #tpu.memory_space<vmem_shared>>
      tpu.wait_indirect_dma semaphore(%arg12 : memref<!tpu.dma_semaphore, #tpu.memory_space<semaphore_mem>>) src(%dma_wait3A_34 : memref<10000x64xf32, #tpu.memory_space<vmem_shared>>) dst(%dma_wait3A_28 : memref<64x64xf32, #tpu.memory_space<vmem>>)
      %add3A = arith.constant 1 : i32
      %add3A_35 = arith.addi %scan3A_24, %add3A : i32
      %lt3A = arith.constant 313 : i32
      %lt3A_36 = arith.cmpi slt, %add3A_35, %lt3A : i32
      %convert_element_type3A = arith.extui %lt3A_36 : i1 to i32
      %cond3A = arith.constant 0 : i32
      %cond3A_37 = arith.cmpi ne, %convert_element_type3A, %cond3A : i32
      scf.if %cond3A_37 {
        %add3A_38 = arith.constant 1 : i32
        %add3A_39 = arith.addi %scan3A_24, %add3A_38 : i32
        %sub3A = arith.constant 1 : i32
        %sub3A_40 = arith.subi %sub3A, %rem3A_25 : i32
        %dma_start3A_41 = arith.constant 0 : i32
        %dma_start3A_42 = arith.constant 0 : i32
        %dma_start3A_43 = tpu.memref_slice %arg9[%sub3A_40, %dma_start3A_41, %dma_start3A_42] : memref<2x64x64xf32, #tpu.memory_space<vmem>> -> memref<1x64x64xf32, #tpu.memory_space<vmem>>
        %dma_start3A_44 = tpu.memref_squeeze %dma_start3A_43 : memref<1x64x64xf32, #tpu.memory_space<vmem>> -> memref<64x64xf32, #tpu.memory_space<vmem>>
        %dma_start3A_45 = arith.constant 0 : i32
        %dma_start3A_46 = tpu.memref_slice %arg7[%add3A_39, %dma_start3A_45] : memref<313x64xi32, #tpu.memory_space<vmem>> -> memref<1x64xi32, #tpu.memory_space<vmem>>
        %dma_start3A_47 = tpu.memref_squeeze %dma_start3A_46 : memref<1x64xi32, #tpu.memory_space<vmem>> -> memref<64xi32, #tpu.memory_space<vmem>>
        %dma_start3A_48 = arith.constant 0 : i32
        %dma_start3A_49 = arith.constant 0 : i32
        %dma_start3A_50 = tpu.memref_slice %arg10[%dma_start3A_48, %dma_start3A_49] : memref<10000x64xf32, #tpu.memory_space<vmem_shared>> -> memref<10000x64xf32, #tpu.memory_space<vmem_shared>>
        tpu.enqueue_indirect_dma source(%dma_start3A_50 : memref<10000x64xf32, #tpu.memory_space<vmem_shared>>) target(%dma_start3A_44 : memref<64x64xf32, #tpu.memory_space<vmem>>) offsets(%dma_start3A_47 : memref<64xi32, #tpu.memory_space<vmem>>) semaphore(%arg12 : memref<!tpu.dma_semaphore, #tpu.memory_space<semaphore_mem>>)
      } else {
      }
      "tpu.region"() ({
        %run_scoped3A = tpu.sem_alloc : memref<!tpu.dma_semaphore, #tpu.memory_space<semaphore_mem>>
        %dma_start3A_38 = arith.constant 0 : i32
        %dma_start3A_39 = arith.constant 0 : i32
        %dma_start3A_40 = tpu.memref_slice %arg9[%rem3A_25, %dma_start3A_38, %dma_start3A_39] : memref<2x64x64xf32, #tpu.memory_space<vmem>> -> memref<1x64x64xf32, #tpu.memory_space<vmem>>
        %dma_start3A_41 = tpu.memref_squeeze %dma_start3A_40 : memref<1x64x64xf32, #tpu.memory_space<vmem>> -> memref<64x64xf32, #tpu.memory_space<vmem>>
        %dma_start3A_42 = arith.constant 0 : i32
        %dma_start3A_43 = tpu.memref_slice %arg8[%scan3A_24, %dma_start3A_42] : memref<313x64xi32, #tpu.memory_space<vmem>> -> memref<1x64xi32, #tpu.memory_space<vmem>>
        %dma_start3A_44 = tpu.memref_squeeze %dma_start3A_43 : memref<1x64xi32, #tpu.memory_space<vmem>> -> memref<64xi32, #tpu.memory_space<vmem>>
        %dma_start3A_45 = arith.constant 0 : i32
        %dma_start3A_46 = arith.constant 0 : i32
        %dma_start3A_47 = tpu.memref_slice %arg11[%dma_start3A_45, %dma_start3A_46] : memref<10240x64xf32, #tpu.memory_space<vmem_shared>> -> memref<10240x64xf32, #tpu.memory_space<vmem_shared>>
        tpu.enqueue_indirect_dma source(%dma_start3A_41 : memref<64x64xf32, #tpu.memory_space<vmem>>) target(%dma_start3A_47 : memref<10240x64xf32, #tpu.memory_space<vmem_shared>>) offsets(%dma_start3A_44 : memref<64xi32, #tpu.memory_space<vmem>>) semaphore(%run_scoped3A : memref<!tpu.dma_semaphore, #tpu.memory_space<semaphore_mem>>) {add = true}
        %dma_wait3A_48 = arith.constant 0 : i32
        %dma_wait3A_49 = arith.constant 0 : i32
        %dma_wait3A_50 = tpu.memref_slice %arg9[%rem3A_25, %dma_wait3A_48, %dma_wait3A_49] : memref<2x64x64xf32, #tpu.memory_space<vmem>> -> memref<1x64x64xf32, #tpu.memory_space<vmem>>
        %dma_wait3A_51 = tpu.memref_squeeze %dma_wait3A_50 : memref<1x64x64xf32, #tpu.memory_space<vmem>> -> memref<64x64xf32, #tpu.memory_space<vmem>>
        %dma_wait3A_52 = arith.constant 0 : i32
        %dma_wait3A_53 = tpu.memref_slice %arg8[%scan3A_24, %dma_wait3A_52] : memref<313x64xi32, #tpu.memory_space<vmem>> -> memref<1x64xi32, #tpu.memory_space<vmem>>
        %dma_wait3A_54 = tpu.memref_squeeze %dma_wait3A_53 : memref<1x64xi32, #tpu.memory_space<vmem>> -> memref<64xi32, #tpu.memory_space<vmem>>
        %dma_wait3A_55 = arith.constant 0 : i32
        %dma_wait3A_56 = arith.constant 0 : i32
        %dma_wait3A_57 = tpu.memref_slice %arg11[%dma_wait3A_55, %dma_wait3A_56] : memref<10240x64xf32, #tpu.memory_space<vmem_shared>> -> memref<10240x64xf32, #tpu.memory_space<vmem_shared>>
        tpu.wait_indirect_dma semaphore(%run_scoped3A : memref<!tpu.dma_semaphore, #tpu.memory_space<semaphore_mem>>) src(%dma_wait3A_51 : memref<64x64xf32, #tpu.memory_space<vmem>>) dst(%dma_wait3A_57 : memref<10240x64xf32, #tpu.memory_space<vmem_shared>>)
        tpu.yield
      }) : () -> ()
    }
    %scan3A_22 = arith.constant 313 : i32
    %barrier3A_23 = arith.constant 0 : index
    tpu.barrier barrier_id(%barrier3A_23)
    "tpu.region"() ({
      %run_scoped3A = tpu.sem_alloc : memref<!tpu.dma_semaphore, #tpu.memory_space<semaphore_mem>>
      %dma_start3A_24 = arith.constant 0 : i32
      %dma_start3A_25 = tpu.memref_slice %arg6[%arg0, %mul3A_4, %dma_start3A_24] : memref<2x10240x64xf32, #tpu.memory_space<hbm>> -> memref<1x640x64xf32, #tpu.memory_space<hbm>>
      %dma_start3A_26 = tpu.memref_squeeze %dma_start3A_25 : memref<1x640x64xf32, #tpu.memory_space<hbm>> -> memref<640x64xf32, #tpu.memory_space<hbm>>
      %dma_start3A_27 = arith.constant 0 : i32
      %dma_start3A_28 = tpu.memref_slice %arg11[%mul3A_4, %dma_start3A_27] : memref<10240x64xf32, #tpu.memory_space<vmem_shared>> -> memref<640x64xf32, #tpu.memory_space<vmem_shared>>
      tpu.enqueue_dma source(%dma_start3A_28 : memref<640x64xf32, #tpu.memory_space<vmem_shared>>) target(%dma_start3A_26 : memref<640x64xf32, #tpu.memory_space<hbm>>) target_semaphore(%run_scoped3A : memref<!tpu.dma_semaphore, #tpu.memory_space<semaphore_mem>>)
      %dma_wait3A = arith.constant 0 : i32
      %dma_wait3A_29 = tpu.memref_slice %arg6[%arg0, %mul3A_4, %dma_wait3A] : memref<2x10240x64xf32, #tpu.memory_space<hbm>> -> memref<1x640x64xf32, #tpu.memory_space<hbm>>
      %dma_wait3A_30 = tpu.memref_squeeze %dma_wait3A_29 : memref<1x640x64xf32, #tpu.memory_space<hbm>> -> memref<640x64xf32, #tpu.memory_space<hbm>>
      %dma_wait3A_31 = arith.constant 0 : i32
      %dma_wait3A_32 = tpu.memref_slice %arg11[%mul3A_4, %dma_wait3A_31] : memref<10240x64xf32, #tpu.memory_space<vmem_shared>> -> memref<640x64xf32, #tpu.memory_space<vmem_shared>>
      tpu.wait_dma2 semaphore(%run_scoped3A : memref<!tpu.dma_semaphore, #tpu.memory_space<semaphore_mem>>) src(%dma_wait3A_32 : memref<640x64xf32, #tpu.memory_space<vmem_shared>>) dst(%dma_wait3A_30 : memref<640x64xf32, #tpu.memory_space<hbm>>)
      tpu.yield
    }) : () -> ()
    return
  }
}

#map = affine_map<(d0, d1) -> (0, 0)>
#map1 = affine_map<(d0, d1) -> (0, 0, 0)>
module attributes {stable_mosaic.version = 14 : i64} {
  func.func @edge_agg(%arg0: i32, %arg1: i32, %arg2: memref<10000x128xf32, #tpu.memory_space<hbm>>, %arg3: memref<5008x64xi32, #tpu.memory_space<hbm>>, %arg4: memref<5008x64xi32, #tpu.memory_space<hbm>>, %arg5: memref<10240x64xf32, #tpu.memory_space<hbm>>, %arg6: memref<2x10240x64xf32, #tpu.memory_space<hbm>>, %arg7: memref<313x64xi32, #tpu.memory_space<vmem>>, %arg8: memref<313x64xi32, #tpu.memory_space<vmem>>, %arg9: memref<2x64x64xf32, #tpu.memory_space<vmem>>, %arg10: memref<10000x64xf32, #tpu.memory_space<vmem_shared>>, %arg11: memref<10240x64xf32, #tpu.memory_space<vmem_shared>>, %arg12: memref<!tpu.dma_semaphore, #tpu.memory_space<semaphore_mem>>) attributes {dimension_semantics = [#tpu.dimension_semantics<core_parallel>, #tpu.dimension_semantics<subcore_parallel>], iteration_bounds = array<i64: 2, 16>, scalar_prefetch = 0 : i64, scratch_operands = 6 : i64, tpu.core_type = #tpu.core_type<sc_vector_subcore>, window_params = [{transform_indices = #map}, {transform_indices = #map}, {transform_indices = #map}, {transform_indices = #map}, {transform_indices = #map1}]} {
    %mul3A = arith.constant 625 : i32
    %mul3A_0 = arith.muli %arg1, %mul3A : i32
    %mul3A_1 = arith.constant 64 : i32
    %mul3A_2 = arith.muli %arg0, %mul3A_1 : i32
    "tpu.region"() ({
      %run_scoped3A = tpu.sem_alloc : memref<!tpu.dma_semaphore, #tpu.memory_space<semaphore_mem>>
      %dma_start3A_24 = arith.constant 0 : i32
      %dma_start3A_25 = tpu.memref_slice %arg10[%mul3A_0, %dma_start3A_24] : memref<10000x64xf32, #tpu.memory_space<vmem_shared>> -> memref<625x64xf32, #tpu.memory_space<vmem_shared>>
      %dma_start3A_26 = tpu.memref_slice %arg2[%mul3A_0, %mul3A_2] : memref<10000x128xf32, #tpu.memory_space<hbm>> -> memref<625x64xf32, #tpu.memory_space<hbm>>
      tpu.enqueue_dma source(%dma_start3A_26 : memref<625x64xf32, #tpu.memory_space<hbm>>) target(%dma_start3A_25 : memref<625x64xf32, #tpu.memory_space<vmem_shared>>) target_semaphore(%run_scoped3A : memref<!tpu.dma_semaphore, #tpu.memory_space<semaphore_mem>>)
      %dma_wait3A = arith.constant 0 : i32
      %dma_wait3A_27 = tpu.memref_slice %arg10[%mul3A_0, %dma_wait3A] : memref<10000x64xf32, #tpu.memory_space<vmem_shared>> -> memref<625x64xf32, #tpu.memory_space<vmem_shared>>
      %dma_wait3A_28 = tpu.memref_slice %arg2[%mul3A_0, %mul3A_2] : memref<10000x128xf32, #tpu.memory_space<hbm>> -> memref<625x64xf32, #tpu.memory_space<hbm>>
      tpu.wait_dma2 semaphore(%run_scoped3A : memref<!tpu.dma_semaphore, #tpu.memory_space<semaphore_mem>>) src(%dma_wait3A_28 : memref<625x64xf32, #tpu.memory_space<hbm>>) dst(%dma_wait3A_27 : memref<625x64xf32, #tpu.memory_space<vmem_shared>>)
      tpu.yield
    }) : () -> ()
    %mul3A_3 = arith.constant 640 : i32
    %mul3A_4 = arith.muli %arg1, %mul3A_3 : i32
    "tpu.region"() ({
      %run_scoped3A = tpu.sem_alloc : memref<!tpu.dma_semaphore, #tpu.memory_space<semaphore_mem>>
      %dma_start3A_24 = arith.constant 0 : i32
      %dma_start3A_25 = tpu.memref_slice %arg11[%mul3A_4, %dma_start3A_24] : memref<10240x64xf32, #tpu.memory_space<vmem_shared>> -> memref<640x64xf32, #tpu.memory_space<vmem_shared>>
      %dma_start3A_26 = arith.constant 0 : i32
      %dma_start3A_27 = tpu.memref_slice %arg5[%mul3A_4, %dma_start3A_26] : memref<10240x64xf32, #tpu.memory_space<hbm>> -> memref<640x64xf32, #tpu.memory_space<hbm>>
      tpu.enqueue_dma source(%dma_start3A_27 : memref<640x64xf32, #tpu.memory_space<hbm>>) target(%dma_start3A_25 : memref<640x64xf32, #tpu.memory_space<vmem_shared>>) target_semaphore(%run_scoped3A : memref<!tpu.dma_semaphore, #tpu.memory_space<semaphore_mem>>)
      %dma_wait3A = arith.constant 0 : i32
      %dma_wait3A_28 = tpu.memref_slice %arg11[%mul3A_4, %dma_wait3A] : memref<10240x64xf32, #tpu.memory_space<vmem_shared>> -> memref<640x64xf32, #tpu.memory_space<vmem_shared>>
      %dma_wait3A_29 = arith.constant 0 : i32
      %dma_wait3A_30 = tpu.memref_slice %arg5[%mul3A_4, %dma_wait3A_29] : memref<10240x64xf32, #tpu.memory_space<hbm>> -> memref<640x64xf32, #tpu.memory_space<hbm>>
      tpu.wait_dma2 semaphore(%run_scoped3A : memref<!tpu.dma_semaphore, #tpu.memory_space<semaphore_mem>>) src(%dma_wait3A_30 : memref<640x64xf32, #tpu.memory_space<hbm>>) dst(%dma_wait3A_28 : memref<640x64xf32, #tpu.memory_space<vmem_shared>>)
      tpu.yield
    }) : () -> ()
    %mul3A_5 = arith.constant 313 : i32
    %mul3A_6 = arith.muli %arg1, %mul3A_5 : i32
    "tpu.region"() ({
      %run_scoped3A = tpu.sem_alloc : memref<!tpu.dma_semaphore, #tpu.memory_space<semaphore_mem>>
      %dma_start3A_24 = arith.constant 0 : i32
      %dma_start3A_25 = tpu.memref_slice %arg3[%mul3A_6, %dma_start3A_24] : memref<5008x64xi32, #tpu.memory_space<hbm>> -> memref<313x64xi32, #tpu.memory_space<hbm>>
      %dma_start3A_26 = arith.constant 0 : i32
      %dma_start3A_27 = tpu.memref_slice %arg3[%mul3A_6, %dma_start3A_26] : memref<5008x64xi32, #tpu.memory_space<hbm>> -> memref<313x64xi32, #tpu.memory_space<hbm>>
      tpu.enqueue_dma source(%dma_start3A_27 : memref<313x64xi32, #tpu.memory_space<hbm>>) target(%arg7 : memref<313x64xi32, #tpu.memory_space<vmem>>) target_semaphore(%run_scoped3A : memref<!tpu.dma_semaphore, #tpu.memory_space<semaphore_mem>>)
      %dma_wait3A = arith.constant 0 : i32
      %dma_wait3A_28 = tpu.memref_slice %arg3[%mul3A_6, %dma_wait3A] : memref<5008x64xi32, #tpu.memory_space<hbm>> -> memref<313x64xi32, #tpu.memory_space<hbm>>
      %dma_wait3A_29 = arith.constant 0 : i32
      %dma_wait3A_30 = tpu.memref_slice %arg3[%mul3A_6, %dma_wait3A_29] : memref<5008x64xi32, #tpu.memory_space<hbm>> -> memref<313x64xi32, #tpu.memory_space<hbm>>
      tpu.wait_dma2 semaphore(%run_scoped3A : memref<!tpu.dma_semaphore, #tpu.memory_space<semaphore_mem>>) src(%dma_wait3A_30 : memref<313x64xi32, #tpu.memory_space<hbm>>) dst(%arg7 : memref<313x64xi32, #tpu.memory_space<vmem>>)
      tpu.yield
    }) : () -> ()
    "tpu.region"() ({
      %run_scoped3A = tpu.sem_alloc : memref<!tpu.dma_semaphore, #tpu.memory_space<semaphore_mem>>
      %dma_start3A_24 = arith.constant 0 : i32
      %dma_start3A_25 = tpu.memref_slice %arg4[%mul3A_6, %dma_start3A_24] : memref<5008x64xi32, #tpu.memory_space<hbm>> -> memref<313x64xi32, #tpu.memory_space<hbm>>
      %dma_start3A_26 = arith.constant 0 : i32
      %dma_start3A_27 = tpu.memref_slice %arg4[%mul3A_6, %dma_start3A_26] : memref<5008x64xi32, #tpu.memory_space<hbm>> -> memref<313x64xi32, #tpu.memory_space<hbm>>
      tpu.enqueue_dma source(%dma_start3A_27 : memref<313x64xi32, #tpu.memory_space<hbm>>) target(%arg8 : memref<313x64xi32, #tpu.memory_space<vmem>>) target_semaphore(%run_scoped3A : memref<!tpu.dma_semaphore, #tpu.memory_space<semaphore_mem>>)
      %dma_wait3A = arith.constant 0 : i32
      %dma_wait3A_28 = tpu.memref_slice %arg4[%mul3A_6, %dma_wait3A] : memref<5008x64xi32, #tpu.memory_space<hbm>> -> memref<313x64xi32, #tpu.memory_space<hbm>>
      %dma_wait3A_29 = arith.constant 0 : i32
      %dma_wait3A_30 = tpu.memref_slice %arg4[%mul3A_6, %dma_wait3A_29] : memref<5008x64xi32, #tpu.memory_space<hbm>> -> memref<313x64xi32, #tpu.memory_space<hbm>>
      tpu.wait_dma2 semaphore(%run_scoped3A : memref<!tpu.dma_semaphore, #tpu.memory_space<semaphore_mem>>) src(%dma_wait3A_30 : memref<313x64xi32, #tpu.memory_space<hbm>>) dst(%arg8 : memref<313x64xi32, #tpu.memory_space<vmem>>)
      tpu.yield
    }) : () -> ()
    %barrier3A = arith.constant 0 : index
    tpu.barrier barrier_id(%barrier3A)
    %dma_start3A = arith.constant 0 : i32
    %dma_start3A_7 = arith.constant 0 : i32
    %dma_start3A_8 = arith.constant 0 : i32
    %dma_start3A_9 = arith.constant 0 : i32
    %dma_start3A_10 = tpu.memref_slice %arg9[%dma_start3A_7, %dma_start3A_8, %dma_start3A_9] : memref<2x64x64xf32, #tpu.memory_space<vmem>> -> memref<1x64x64xf32, #tpu.memory_space<vmem>>
    %dma_start3A_11 = tpu.memref_squeeze %dma_start3A_10 : memref<1x64x64xf32, #tpu.memory_space<vmem>> -> memref<64x64xf32, #tpu.memory_space<vmem>>
    %dma_start3A_12 = arith.constant 0 : i32
    %dma_start3A_13 = tpu.memref_slice %arg7[%dma_start3A, %dma_start3A_12] : memref<313x64xi32, #tpu.memory_space<vmem>> -> memref<1x64xi32, #tpu.memory_space<vmem>>
    %dma_start3A_14 = tpu.memref_squeeze %dma_start3A_13 : memref<1x64xi32, #tpu.memory_space<vmem>> -> memref<64xi32, #tpu.memory_space<vmem>>
    %dma_start3A_15 = arith.constant 0 : i32
    %dma_start3A_16 = arith.constant 0 : i32
    %dma_start3A_17 = tpu.memref_slice %arg10[%dma_start3A_15, %dma_start3A_16] : memref<10000x64xf32, #tpu.memory_space<vmem_shared>> -> memref<10000x64xf32, #tpu.memory_space<vmem_shared>>
    tpu.enqueue_indirect_dma source(%dma_start3A_17 : memref<10000x64xf32, #tpu.memory_space<vmem_shared>>) target(%dma_start3A_11 : memref<64x64xf32, #tpu.memory_space<vmem>>) offsets(%dma_start3A_14 : memref<64xi32, #tpu.memory_space<vmem>>) semaphore(%arg12 : memref<!tpu.dma_semaphore, #tpu.memory_space<semaphore_mem>>)
    %scan3A = arith.constant 0 : i32
    %scan3A_18 = arith.constant 0 : i32
    %scan3A_19 = arith.constant 313 : i32
    %scan3A_20 = arith.addi %scan3A_18, %scan3A_19 : i32
    %scan3A_21 = arith.constant 1 : i32
    scf.for %scan3A_24 = %scan3A_18 to %scan3A_20 step %scan3A_21  : i32 {
      %rem3A = arith.constant 2 : i32
      %rem3A_25 = arith.remsi %scan3A_24, %rem3A : i32
      %dma_wait3A = arith.constant 0 : i32
      %dma_wait3A_26 = arith.constant 0 : i32
      %dma_wait3A_27 = tpu.memref_slice %arg9[%rem3A_25, %dma_wait3A, %dma_wait3A_26] : memref<2x64x64xf32, #tpu.memory_space<vmem>> -> memref<1x64x64xf32, #tpu.memory_space<vmem>>
      %dma_wait3A_28 = tpu.memref_squeeze %dma_wait3A_27 : memref<1x64x64xf32, #tpu.memory_space<vmem>> -> memref<64x64xf32, #tpu.memory_space<vmem>>
      %dma_wait3A_29 = arith.constant 0 : i32
      %dma_wait3A_30 = tpu.memref_slice %arg7[%scan3A_24, %dma_wait3A_29] : memref<313x64xi32, #tpu.memory_space<vmem>> -> memref<1x64xi32, #tpu.memory_space<vmem>>
      %dma_wait3A_31 = tpu.memref_squeeze %dma_wait3A_30 : memref<1x64xi32, #tpu.memory_space<vmem>> -> memref<64xi32, #tpu.memory_space<vmem>>
      %dma_wait3A_32 = arith.constant 0 : i32
      %dma_wait3A_33 = arith.constant 0 : i32
      %dma_wait3A_34 = tpu.memref_slice %arg10[%dma_wait3A_32, %dma_wait3A_33] : memref<10000x64xf32, #tpu.memory_space<vmem_shared>> -> memref<10000x64xf32, #tpu.memory_space<vmem_shared>>
      tpu.wait_indirect_dma semaphore(%arg12 : memref<!tpu.dma_semaphore, #tpu.memory_space<semaphore_mem>>) src(%dma_wait3A_34 : memref<10000x64xf32, #tpu.memory_space<vmem_shared>>) dst(%dma_wait3A_28 : memref<64x64xf32, #tpu.memory_space<vmem>>)
      %add3A = arith.constant 1 : i32
      %add3A_35 = arith.addi %scan3A_24, %add3A : i32
      %lt3A = arith.constant 313 : i32
      %lt3A_36 = arith.cmpi slt, %add3A_35, %lt3A : i32
      %convert_element_type3A = arith.extui %lt3A_36 : i1 to i32
      %cond3A = arith.constant 0 : i32
      %cond3A_37 = arith.cmpi ne, %convert_element_type3A, %cond3A : i32
      scf.if %cond3A_37 {
        %add3A_38 = arith.constant 1 : i32
        %add3A_39 = arith.addi %scan3A_24, %add3A_38 : i32
        %sub3A = arith.constant 1 : i32
        %sub3A_40 = arith.subi %sub3A, %rem3A_25 : i32
        %dma_start3A_41 = arith.constant 0 : i32
        %dma_start3A_42 = arith.constant 0 : i32
        %dma_start3A_43 = tpu.memref_slice %arg9[%sub3A_40, %dma_start3A_41, %dma_start3A_42] : memref<2x64x64xf32, #tpu.memory_space<vmem>> -> memref<1x64x64xf32, #tpu.memory_space<vmem>>
        %dma_start3A_44 = tpu.memref_squeeze %dma_start3A_43 : memref<1x64x64xf32, #tpu.memory_space<vmem>> -> memref<64x64xf32, #tpu.memory_space<vmem>>
        %dma_start3A_45 = arith.constant 0 : i32
        %dma_start3A_46 = tpu.memref_slice %arg7[%add3A_39, %dma_start3A_45] : memref<313x64xi32, #tpu.memory_space<vmem>> -> memref<1x64xi32, #tpu.memory_space<vmem>>
        %dma_start3A_47 = tpu.memref_squeeze %dma_start3A_46 : memref<1x64xi32, #tpu.memory_space<vmem>> -> memref<64xi32, #tpu.memory_space<vmem>>
        %dma_start3A_48 = arith.constant 0 : i32
        %dma_start3A_49 = arith.constant 0 : i32
        %dma_start3A_50 = tpu.memref_slice %arg10[%dma_start3A_48, %dma_start3A_49] : memref<10000x64xf32, #tpu.memory_space<vmem_shared>> -> memref<10000x64xf32, #tpu.memory_space<vmem_shared>>
        tpu.enqueue_indirect_dma source(%dma_start3A_50 : memref<10000x64xf32, #tpu.memory_space<vmem_shared>>) target(%dma_start3A_44 : memref<64x64xf32, #tpu.memory_space<vmem>>) offsets(%dma_start3A_47 : memref<64xi32, #tpu.memory_space<vmem>>) semaphore(%arg12 : memref<!tpu.dma_semaphore, #tpu.memory_space<semaphore_mem>>)
      } else {
      }
      "tpu.region"() ({
        %run_scoped3A = tpu.sem_alloc : memref<!tpu.dma_semaphore, #tpu.memory_space<semaphore_mem>>
        %dma_start3A_38 = arith.constant 0 : i32
        %dma_start3A_39 = arith.constant 0 : i32
        %dma_start3A_40 = tpu.memref_slice %arg9[%rem3A_25, %dma_start3A_38, %dma_start3A_39] : memref<2x64x64xf32, #tpu.memory_space<vmem>> -> memref<1x64x64xf32, #tpu.memory_space<vmem>>
        %dma_start3A_41 = tpu.memref_squeeze %dma_start3A_40 : memref<1x64x64xf32, #tpu.memory_space<vmem>> -> memref<64x64xf32, #tpu.memory_space<vmem>>
        %dma_start3A_42 = arith.constant 0 : i32
        %dma_start3A_43 = tpu.memref_slice %arg8[%scan3A_24, %dma_start3A_42] : memref<313x64xi32, #tpu.memory_space<vmem>> -> memref<1x64xi32, #tpu.memory_space<vmem>>
        %dma_start3A_44 = tpu.memref_squeeze %dma_start3A_43 : memref<1x64xi32, #tpu.memory_space<vmem>> -> memref<64xi32, #tpu.memory_space<vmem>>
        %dma_start3A_45 = arith.constant 0 : i32
        %dma_start3A_46 = arith.constant 0 : i32
        %dma_start3A_47 = tpu.memref_slice %arg11[%dma_start3A_45, %dma_start3A_46] : memref<10240x64xf32, #tpu.memory_space<vmem_shared>> -> memref<10240x64xf32, #tpu.memory_space<vmem_shared>>
        tpu.enqueue_indirect_dma source(%dma_start3A_41 : memref<64x64xf32, #tpu.memory_space<vmem>>) target(%dma_start3A_47 : memref<10240x64xf32, #tpu.memory_space<vmem_shared>>) offsets(%dma_start3A_44 : memref<64xi32, #tpu.memory_space<vmem>>) semaphore(%run_scoped3A : memref<!tpu.dma_semaphore, #tpu.memory_space<semaphore_mem>>) {add = true}
        %dma_wait3A_48 = arith.constant 0 : i32
        %dma_wait3A_49 = arith.constant 0 : i32
        %dma_wait3A_50 = tpu.memref_slice %arg9[%rem3A_25, %dma_wait3A_48, %dma_wait3A_49] : memref<2x64x64xf32, #tpu.memory_space<vmem>> -> memref<1x64x64xf32, #tpu.memory_space<vmem>>
        %dma_wait3A_51 = tpu.memref_squeeze %dma_wait3A_50 : memref<1x64x64xf32, #tpu.memory_space<vmem>> -> memref<64x64xf32, #tpu.memory_space<vmem>>
        %dma_wait3A_52 = arith.constant 0 : i32
        %dma_wait3A_53 = tpu.memref_slice %arg8[%scan3A_24, %dma_wait3A_52] : memref<313x64xi32, #tpu.memory_space<vmem>> -> memref<1x64xi32, #tpu.memory_space<vmem>>
        %dma_wait3A_54 = tpu.memref_squeeze %dma_wait3A_53 : memref<1x64xi32, #tpu.memory_space<vmem>> -> memref<64xi32, #tpu.memory_space<vmem>>
        %dma_wait3A_55 = arith.constant 0 : i32
        %dma_wait3A_56 = arith.constant 0 : i32
        %dma_wait3A_57 = tpu.memref_slice %arg11[%dma_wait3A_55, %dma_wait3A_56] : memref<10240x64xf32, #tpu.memory_space<vmem_shared>> -> memref<10240x64xf32, #tpu.memory_space<vmem_shared>>
        tpu.wait_indirect_dma semaphore(%run_scoped3A : memref<!tpu.dma_semaphore, #tpu.memory_space<semaphore_mem>>) src(%dma_wait3A_51 : memref<64x64xf32, #tpu.memory_space<vmem>>) dst(%dma_wait3A_57 : memref<10240x64xf32, #tpu.memory_space<vmem_shared>>)
        tpu.yield
      }) : () -> ()
    }
    %scan3A_22 = arith.constant 313 : i32
    %barrier3A_23 = arith.constant 0 : index
    tpu.barrier barrier_id(%barrier3A_23)
    "tpu.region"() ({
      %run_scoped3A = tpu.sem_alloc : memref<!tpu.dma_semaphore, #tpu.memory_space<semaphore_mem>>
      %dma_start3A_24 = arith.constant 0 : i32
      %dma_start3A_25 = tpu.memref_slice %arg6[%arg0, %mul3A_4, %dma_start3A_24] : memref<2x10240x64xf32, #tpu.memory_space<hbm>> -> memref<1x640x64xf32, #tpu.memory_space<hbm>>
      %dma_start3A_26 = tpu.memref_squeeze %dma_start3A_25 : memref<1x640x64xf32, #tpu.memory_space<hbm>> -> memref<640x64xf32, #tpu.memory_space<hbm>>
      %dma_start3A_27 = arith.constant 0 : i32
      %dma_start3A_28 = tpu.memref_slice %arg11[%mul3A_4, %dma_start3A_27] : memref<10240x64xf32, #tpu.memory_space<vmem_shared>> -> memref<640x64xf32, #tpu.memory_space<vmem_shared>>
      tpu.enqueue_dma source(%dma_start3A_28 : memref<640x64xf32, #tpu.memory_space<vmem_shared>>) target(%dma_start3A_26 : memref<640x64xf32, #tpu.memory_space<hbm>>) target_semaphore(%run_scoped3A : memref<!tpu.dma_semaphore, #tpu.memory_space<semaphore_mem>>)
      %dma_wait3A = arith.constant 0 : i32
      %dma_wait3A_29 = tpu.memref_slice %arg6[%arg0, %mul3A_4, %dma_wait3A] : memref<2x10240x64xf32, #tpu.memory_space<hbm>> -> memref<1x640x64xf32, #tpu.memory_space<hbm>>
      %dma_wait3A_30 = tpu.memref_squeeze %dma_wait3A_29 : memref<1x640x64xf32, #tpu.memory_space<hbm>> -> memref<640x64xf32, #tpu.memory_space<hbm>>
      %dma_wait3A_31 = arith.constant 0 : i32
      %dma_wait3A_32 = tpu.memref_slice %arg11[%mul3A_4, %dma_wait3A_31] : memref<10240x64xf32, #tpu.memory_space<vmem_shared>> -> memref<640x64xf32, #tpu.memory_space<vmem_shared>>
      tpu.wait_dma2 semaphore(%run_scoped3A : memref<!tpu.dma_semaphore, #tpu.memory_space<semaphore_mem>>) src(%dma_wait3A_32 : memref<640x64xf32, #tpu.memory_space<vmem_shared>>) dst(%dma_wait3A_30 : memref<640x64xf32, #tpu.memory_space<hbm>>)
      tpu.yield
    }) : () -> ()
    return
  }
}

module attributes {stable_mosaic.version = 14 : i64} {
  func.func @_layer1_body(%arg0: i32, %arg1: memref<1x1000x64xf32, #tpu.memory_space<vmem>>, %arg2: memref<1x1000x64xf32, #tpu.memory_space<vmem>>, %arg3: memref<1000x128xf32, #tpu.memory_space<vmem>>, %arg4: memref<128x128xf32, #tpu.memory_space<vmem>>, %arg5: memref<128x128xf32, #tpu.memory_space<vmem>>, %arg6: memref<1x128xf32, #tpu.memory_space<vmem>>, %arg7: memref<1000x128xf32, #tpu.memory_space<vmem>>) attributes {dimension_semantics = [#tpu.dimension_semantics<arbitrary>], iteration_bounds = array<i64: 10>, scalar_prefetch = 0 : i64, scratch_operands = 0 : i64, tpu.core_type = #tpu.core_type<tc>, window_params = [{transform_indices = @transform_0, window_bounds = array<i64: 1, 1000, 64>}, {transform_indices = @transform_1, window_bounds = array<i64: 1, 1000, 64>}, {transform_indices = @transform_2, window_bounds = array<i64: 1000, 128>}, {pipeline_mode = #tpu.pipeline_mode<synchronous>, transform_indices = @transform_3, window_bounds = array<i64: 128, 128>}, {pipeline_mode = #tpu.pipeline_mode<synchronous>, transform_indices = @transform_4, window_bounds = array<i64: 128, 128>}, {pipeline_mode = #tpu.pipeline_mode<synchronous>, transform_indices = @transform_5, window_bounds = array<i64: 1, 128>}, {transform_indices = @transform_6, window_bounds = array<i64: 1000, 128>}]} {
    %get3A = arith.constant 0 : index
    %get3A_0 = arith.constant 0 : index
    %get3A_1 = arith.constant 0 : index
    %get3A_2 = vector.load %arg1[%get3A, %get3A_0, %get3A_1] : memref<1x1000x64xf32, #tpu.memory_space<vmem>>, vector<1x1000x64xf32>
    %get3A_3 = vector.shape_cast %get3A_2 : vector<1x1000x64xf32> to vector<1000x64xf32>
    %get3A_4 = arith.constant 0 : index
    %get3A_5 = arith.constant 0 : index
    %get3A_6 = arith.constant 0 : index
    %get3A_7 = vector.load %arg2[%get3A_4, %get3A_5, %get3A_6] : memref<1x1000x64xf32, #tpu.memory_space<vmem>>, vector<1x1000x64xf32>
    %get3A_8 = vector.shape_cast %get3A_7 : vector<1x1000x64xf32> to vector<1000x64xf32>
    %concatenate3A = tpu.concatenate %get3A_3, %get3A_8 in 1 : vector<1000x64xf32>, vector<1000x64xf32> -> vector<1000x128xf32>
    %get3A_9 = arith.constant 0 : index
    %get3A_10 = arith.constant 0 : index
    %get3A_11 = vector.load %arg4[%get3A_9, %get3A_10] : memref<128x128xf32, #tpu.memory_space<vmem>>, vector<128x128xf32>
    %dot_general3A = arith.constant dense<0.000000e+00> : vector<1000x128xf32>
    %dot_general3A_12 = tpu.matmul %concatenate3A, %get3A_11, %dot_general3A {dimension_numbers = #tpu.dot_dimension_numbers<[1], [0], [0], [1], [0, 0, 1, 1], [], []>, transpose_lhs_hint = false} : vector<1000x128xf32>, vector<128x128xf32>, vector<1000x128xf32> -> vector<1000x128xf32>
    %get3A_13 = arith.constant 0 : index
    %get3A_14 = arith.constant 0 : index
    %get3A_15 = vector.load %arg6[%get3A_13, %get3A_14] : memref<1x128xf32, #tpu.memory_space<vmem>>, vector<1x128xf32>
    %add3A = vector.broadcast %get3A_15 : vector<1x128xf32> to vector<1000x128xf32>
    %add3A_16 = arith.addf %dot_general3A_12, %add3A : vector<1000x128xf32>
    %get3A_17 = arith.constant 0 : index
    %get3A_18 = arith.constant 0 : index
    %get3A_19 = vector.load %arg3[%get3A_17, %get3A_18] : memref<1000x128xf32, #tpu.memory_space<vmem>>, vector<1000x128xf32>
    %get3A_20 = arith.constant 0 : index
    %get3A_21 = arith.constant 0 : index
    %get3A_22 = vector.load %arg5[%get3A_20, %get3A_21] : memref<128x128xf32, #tpu.memory_space<vmem>>, vector<128x128xf32>
    %dot_general3A_23 = arith.constant dense<0.000000e+00> : vector<1000x128xf32>
    %dot_general3A_24 = tpu.matmul %get3A_19, %get3A_22, %dot_general3A_23 {dimension_numbers = #tpu.dot_dimension_numbers<[1], [0], [0], [1], [0, 0, 1, 1], [], []>, transpose_lhs_hint = false} : vector<1000x128xf32>, vector<128x128xf32>, vector<1000x128xf32> -> vector<1000x128xf32>
    %add3A_25 = arith.addf %add3A_16, %dot_general3A_24 : vector<1000x128xf32>
    %max3A = arith.constant 0.000000e+00 : f32
    %max3A_26 = vector.broadcast %max3A : f32 to vector<1000x128xf32>
    %max3A_27 = arith.maximumf %add3A_25, %max3A_26 : vector<1000x128xf32>
    %swap3A = arith.constant 0 : index
    %swap3A_28 = arith.constant 0 : index
    %swap3A_29 = vector.load %arg7[%swap3A, %swap3A_28] : memref<1000x128xf32, #tpu.memory_space<vmem>>, vector<1000x128xf32>
    tpu.vector_store %arg7[%swap3A, %swap3A_28], %max3A_27 {strides = array<i32>} : memref<1000x128xf32, #tpu.memory_space<vmem>>, vector<1000x128xf32>,
    return
  }
  func.func @transform_0(%arg0: i32) -> (i32, i32, i32) {
    %c0_i32 = arith.constant 0 : i32
    %c0_i32_0 = arith.constant 0 : i32
    %c0_i32_1 = arith.constant 0 : i32
    return %c0_i32, %arg0, %c0_i32_0 : i32, i32, i32
  }
  func.func @transform_1(%arg0: i32) -> (i32, i32, i32) {
    %c1_i32 = arith.constant 1 : i32
    %c0_i32 = arith.constant 0 : i32
    %c0_i32_0 = arith.constant 0 : i32
    return %c1_i32, %arg0, %c0_i32 : i32, i32, i32
  }
  func.func @transform_2(%arg0: i32) -> (i32, i32) {
    %c0_i32 = arith.constant 0 : i32
    %c0_i32_0 = arith.constant 0 : i32
    return %arg0, %c0_i32 : i32, i32
  }
  func.func @transform_3(%arg0: i32) -> (i32, i32) {
    %c0_i32 = arith.constant 0 : i32
    %c0_i32_0 = arith.constant 0 : i32
    %c0_i32_1 = arith.constant 0 : i32
    return %c0_i32, %c0_i32_0 : i32, i32
  }
  func.func @transform_4(%arg0: i32) -> (i32, i32) {
    %c0_i32 = arith.constant 0 : i32
    %c0_i32_0 = arith.constant 0 : i32
    %c0_i32_1 = arith.constant 0 : i32
    return %c0_i32, %c0_i32_0 : i32, i32
  }
  func.func @transform_5(%arg0: i32) -> (i32, i32) {
    %c0_i32 = arith.constant 0 : i32
    %c0_i32_0 = arith.constant 0 : i32
    %c0_i32_1 = arith.constant 0 : i32
    return %c0_i32, %c0_i32_0 : i32, i32
  }
  func.func @transform_6(%arg0: i32) -> (i32, i32) {
    %c0_i32 = arith.constant 0 : i32
    %c0_i32_0 = arith.constant 0 : i32
    return %arg0, %c0_i32 : i32, i32
  }
}

module attributes {stable_mosaic.version = 14 : i64} {
  func.func @_layer2_body(%arg0: i32, %arg1: memref<1x1000x64xf32, #tpu.memory_space<vmem>>, %arg2: memref<1x1000x64xf32, #tpu.memory_space<vmem>>, %arg3: memref<1000x128xf32, #tpu.memory_space<vmem>>, %arg4: memref<128x64xf32, #tpu.memory_space<vmem>>, %arg5: memref<128x64xf32, #tpu.memory_space<vmem>>, %arg6: memref<1x64xf32, #tpu.memory_space<vmem>>, %arg7: memref<1000x64xf32, #tpu.memory_space<vmem>>) attributes {dimension_semantics = [#tpu.dimension_semantics<arbitrary>], iteration_bounds = array<i64: 10>, scalar_prefetch = 0 : i64, scratch_operands = 0 : i64, tpu.core_type = #tpu.core_type<tc>, window_params = [{transform_indices = @transform_0, window_bounds = array<i64: 1, 1000, 64>}, {transform_indices = @transform_1, window_bounds = array<i64: 1, 1000, 64>}, {transform_indices = @transform_2, window_bounds = array<i64: 1000, 128>}, {pipeline_mode = #tpu.pipeline_mode<synchronous>, transform_indices = @transform_3, window_bounds = array<i64: 128, 64>}, {pipeline_mode = #tpu.pipeline_mode<synchronous>, transform_indices = @transform_4, window_bounds = array<i64: 128, 64>}, {pipeline_mode = #tpu.pipeline_mode<synchronous>, transform_indices = @transform_5, window_bounds = array<i64: 1, 64>}, {transform_indices = @transform_6, window_bounds = array<i64: 1000, 64>}]} {
    %get3A = arith.constant 0 : index
    %get3A_0 = arith.constant 0 : index
    %get3A_1 = arith.constant 0 : index
    %get3A_2 = vector.load %arg1[%get3A, %get3A_0, %get3A_1] : memref<1x1000x64xf32, #tpu.memory_space<vmem>>, vector<1x1000x64xf32>
    %get3A_3 = vector.shape_cast %get3A_2 : vector<1x1000x64xf32> to vector<1000x64xf32>
    %get3A_4 = arith.constant 0 : index
    %get3A_5 = arith.constant 0 : index
    %get3A_6 = arith.constant 0 : index
    %get3A_7 = vector.load %arg2[%get3A_4, %get3A_5, %get3A_6] : memref<1x1000x64xf32, #tpu.memory_space<vmem>>, vector<1x1000x64xf32>
    %get3A_8 = vector.shape_cast %get3A_7 : vector<1x1000x64xf32> to vector<1000x64xf32>
    %concatenate3A = tpu.concatenate %get3A_3, %get3A_8 in 1 : vector<1000x64xf32>, vector<1000x64xf32> -> vector<1000x128xf32>
    %get3A_9 = arith.constant 0 : index
    %get3A_10 = arith.constant 0 : index
    %get3A_11 = vector.load %arg4[%get3A_9, %get3A_10] : memref<128x64xf32, #tpu.memory_space<vmem>>, vector<128x64xf32>
    %dot_general3A = arith.constant dense<0.000000e+00> : vector<1000x64xf32>
    %dot_general3A_12 = tpu.matmul %concatenate3A, %get3A_11, %dot_general3A {dimension_numbers = #tpu.dot_dimension_numbers<[1], [0], [0], [1], [0, 0, 1, 1], [], []>, transpose_lhs_hint = false} : vector<1000x128xf32>, vector<128x64xf32>, vector<1000x64xf32> -> vector<1000x64xf32>
    %get3A_13 = arith.constant 0 : index
    %get3A_14 = arith.constant 0 : index
    %get3A_15 = vector.load %arg6[%get3A_13, %get3A_14] : memref<1x64xf32, #tpu.memory_space<vmem>>, vector<1x64xf32>
    %add3A = vector.broadcast %get3A_15 : vector<1x64xf32> to vector<1000x64xf32>
    %add3A_16 = arith.addf %dot_general3A_12, %add3A : vector<1000x64xf32>
    %get3A_17 = arith.constant 0 : index
    %get3A_18 = arith.constant 0 : index
    %get3A_19 = vector.load %arg3[%get3A_17, %get3A_18] : memref<1000x128xf32, #tpu.memory_space<vmem>>, vector<1000x128xf32>
    %get3A_20 = arith.constant 0 : index
    %get3A_21 = arith.constant 0 : index
    %get3A_22 = vector.load %arg5[%get3A_20, %get3A_21] : memref<128x64xf32, #tpu.memory_space<vmem>>, vector<128x64xf32>
    %dot_general3A_23 = arith.constant dense<0.000000e+00> : vector<1000x64xf32>
    %dot_general3A_24 = tpu.matmul %get3A_19, %get3A_22, %dot_general3A_23 {dimension_numbers = #tpu.dot_dimension_numbers<[1], [0], [0], [1], [0, 0, 1, 1], [], []>, transpose_lhs_hint = false} : vector<1000x128xf32>, vector<128x64xf32>, vector<1000x64xf32> -> vector<1000x64xf32>
    %add3A_25 = arith.addf %add3A_16, %dot_general3A_24 : vector<1000x64xf32>
    %reduce_max3A = arith.constant dense<0xFF800000> : vector<1000xf32>
    %reduce_max3A_26 = vector.multi_reduction <maximumf>, %add3A_25, %reduce_max3A [1] : vector<1000x64xf32> to vector<1000xf32>
    %broadcast_in_dim3A = vector.shape_cast %reduce_max3A_26 : vector<1000xf32> to vector<1000x1xf32>
    %sub3A = vector.broadcast %broadcast_in_dim3A : vector<1000x1xf32> to vector<1000x64xf32>
    %sub3A_27 = arith.subf %add3A_25, %sub3A : vector<1000x64xf32>
    %exp3A = math.exp %sub3A_27 : vector<1000x64xf32>
    %reduce_sum3A = arith.constant dense<0.000000e+00> : vector<1000xf32>
    %reduce_sum3A_28 = vector.multi_reduction <add>, %exp3A, %reduce_sum3A [1] : vector<1000x64xf32> to vector<1000xf32>
    %broadcast_in_dim3A_29 = vector.shape_cast %reduce_sum3A_28 : vector<1000xf32> to vector<1000x1xf32>
    %div3A = vector.broadcast %broadcast_in_dim3A_29 : vector<1000x1xf32> to vector<1000x64xf32>
    %div3A_30 = arith.divf %exp3A, %div3A : vector<1000x64xf32>
    %swap3A = arith.constant 0 : index
    %swap3A_31 = arith.constant 0 : index
    %swap3A_32 = vector.load %arg7[%swap3A, %swap3A_31] : memref<1000x64xf32, #tpu.memory_space<vmem>>, vector<1000x64xf32>
    tpu.vector_store %arg7[%swap3A, %swap3A_31], %div3A_30 {strides = array<i32>} : memref<1000x64xf32, #tpu.memory_space<vmem>>, vector<1000x64xf32>,
    return
  }
  func.func @transform_0(%arg0: i32) -> (i32, i32, i32) {
    %c0_i32 = arith.constant 0 : i32
    %c0_i32_0 = arith.constant 0 : i32
    %c0_i32_1 = arith.constant 0 : i32
    return %c0_i32, %arg0, %c0_i32_0 : i32, i32, i32
  }
  func.func @transform_1(%arg0: i32) -> (i32, i32, i32) {
    %c1_i32 = arith.constant 1 : i32
    %c0_i32 = arith.constant 0 : i32
    %c0_i32_0 = arith.constant 0 : i32
    return %c1_i32, %arg0, %c0_i32 : i32, i32, i32
  }
  func.func @transform_2(%arg0: i32) -> (i32, i32) {
    %c0_i32 = arith.constant 0 : i32
    %c0_i32_0 = arith.constant 0 : i32
    return %arg0, %c0_i32 : i32, i32
  }
  func.func @transform_3(%arg0: i32) -> (i32, i32) {
    %c0_i32 = arith.constant 0 : i32
    %c0_i32_0 = arith.constant 0 : i32
    %c0_i32_1 = arith.constant 0 : i32
    return %c0_i32, %c0_i32_0 : i32, i32
  }
  func.func @transform_4(%arg0: i32) -> (i32, i32) {
    %c0_i32 = arith.constant 0 : i32
    %c0_i32_0 = arith.constant 0 : i32
    %c0_i32_1 = arith.constant 0 : i32
    return %c0_i32, %c0_i32_0 : i32, i32
  }
  func.func @transform_5(%arg0: i32) -> (i32, i32) {
    %c0_i32 = arith.constant 0 : i32
    %c0_i32_0 = arith.constant 0 : i32
    %c0_i32_1 = arith.constant 0 : i32
    return %c0_i32, %c0_i32_0 : i32, i32
  }
  func.func @transform_6(%arg0: i32) -> (i32, i32) {
    %c0_i32 = arith.constant 0 : i32
    %c0_i32_0 = arith.constant 0 : i32
    return %arg0, %c0_i32 : i32, i32
  }
}

</mosaic_0001>

<sc_bundles>
// kernel: kernel.6.cloned.1.call-start
scs
__scs_entry_jumppad:
0x0: {  	(pc) =	sbr.rel $0x88, $3  }
0x1: {  	(tag) =	ssettag $0x0;
	lr =	simm.s32 $0x1  }
0x2: {  	[smem:$0x3F99] =	sst lr;
	_ =	strace $0xD0000000  }
0x3: {  	_ = 	snop  }
0x4: {  	_ = 	snop  }
0x5: {  	_ = 	snop  }
0x6: {  	_ = 	snop  }
0x7: {  	_ = 	snop  }
__scs_overlays_trampoline_lowered:
0x8: {  	[smem:$0x3FA8] =	sst s0  }
0x9: {  	[smem:$0x3FA9] =	sst s1  }
0xa: {  	[smem:$0x3FAA] =	sst s2  }
0xb: {  	[smem:$0x3FAB] =	sst s3  }
0xc: {  	[smem:$0x3FAC] =	sst s4  }
0xd: {  	[smem:$0x3FAD] =	sst s5  }
0xe: {  	[smem:$0x3FAE] =	sst s6  }
0xf: {  	[smem:$0x3FAF] =	sst s7  }
0x10: {  	[smem:$0x3FB0] =	sst s8  }
0x11: {  	[smem:$0x3FB1] =	sst s9;
	s0 =	simm.s32 @!p0 $0x0  }
0x12: {  	s1 =	sld [smem:$0x3F97];
	s0 =	simm.s32 @p0 $0x1  }
0x13: {  	[smem:$0x3FB2] =	sst s0;
	s0 =	simm.s32 @!p1 $0x0  }
0x14: {  	s2 =	sld [smem:$0x3F96];
	s0 =	simm.s32 @p1 $0x1  }
0x15: {  	[smem:$0x3FB3] =	sst s0;
	s0 =	simm.s32 @!p2 $0x0  }
0x16: {  	s3 =	sld [smem:$0x3FDB];
	s0 =	simm.s32 @p2 $0x1  }
0x17: {  	s4 =	simm.s32 $0x1BF5;
	[smem:$0x3FB5] =	sst s0  }
0x18: {  	s0 =	sld [smem:$0x3F98];
	_ =	swait.ge [sflag:s4], $0x0  }
0x19: {  	s7 =	sld [smem:$0x3F99]  }
0x1a: {  	s8 =	sadd.s32 $0xFFFFE003, lr  }
0x1b: {  	s9 =	sadd.s32 $0xFFFFFEF7, lr;
	s5 =	simm.s32 $0xFFFFFFFF;
	p2 =	slt.u32 s8, $0xFFFFF086  }
0x1c: {  	p1 =	slt.u32 s9, $0xF7A;
	s5 =	simm.s32 @!p2 $0x0  }
0x1d: {  	s5 =	simm.s32 @p1 $0x1;
	p0 =	seq.s32 s7, s2  }
0x1e: {  	s7 =	smul.u32 @!p0 $0xF7A, s2;
	p2 =	seq.s32 @!p0 s5, $0x0  }
0x1f: {  	s9 =	smul.u32 $0xF7A, s1;
	s8 =	simm.s32 @!p0 $0x1BF5;
	p2 =	por !p2, p0  }
0x20: {  	[sflag:s8] =	ssyncset.s32 @!p0 $0xFFFFF086;
	s6 =	sadd.s32 @!p0 s3, s7;
	s7 =	simm.s32 @!p0 $0x108  }
0x21: {  	s3 =	sadd.s32 s3, s9;
	s6 =	sadd.s32 @!p0 $0x88, s6;
	s7 =	simm.s32 @p2 $0x1082  }
0x22: {  	[simem:s7], [sflag:s8] =	dma.local @!p0 [hbm:s6], $0xF7A  }
0x23: {  	s9 =	sor.u32 $0xD0000000, s2;
	s6 =	simm.s32 $0x108;
	_ =	swait.ge @!p0 [sflag:s8], $0x0  }
0x24: {  	s3 =	sadd.s32 $0x88, s3;
	s6 =	simm.s32 @!p1 $0x1082;
	[sflag:s4] =	ssyncset.s32 $0xFFFFF086  }
0x25: {  	[simem:s6], [sflag:s4] =	dma.local [hbm:s3], $0xF7A  }
0x26: {  	[smem:$0x3F99] =	sst s1;
	(tag) =	ssettag s2;
	_ =	strace s9  }
0x27: {  	s1 =	sld [smem:$0x3FA9]  }
0x28: {  	s2 =	sld [smem:$0x3FAA]  }
0x29: {  	s4 =	sld [smem:$0x3FAC]  }
0x2a: {  	p0 =	seq.s32 s5, $0x0;
	s5 =	sld [smem:$0x3FAD]  }
0x2b: {  	s6 =	sld [smem:$0x3FAE]  }
0x2c: {  	s7 =	sld [smem:$0x3FAF]  }
0x2d: {  	s3 =	simm.s32 $0x108;
	s8 =	sld [smem:$0x3FB0]  }
0x2e: {  	s3 =	simm.s32 @!p0 $0x1082;
	s9 =	sld [smem:$0x3FB1]  }
0x2f: {  	lr =	sadd.s32 s0, s3;
	s0 =	sld [smem:$0x3FA8]  }
0x30: {  	s3 =	sld [smem:$0x3FAB]  }
0x31: {  	[smem:$0x3FB4] =	sst s10  }
0x32: {  	s10 =	sld [smem:$0x3FB2];
	_ =	sdelay $0x3  }
0x33: {  	p0 =	seq.s32 s10, $0x1;
	s10 =	sld [smem:$0x3FB4];
	_ =	sdelay $0x3  }
0x34: {  	[smem:$0x3FB4] =	sst s10  }
0x35: {  	s10 =	sld [smem:$0x3FB3];
	_ =	sdelay $0x3  }
0x36: {  	p1 =	seq.s32 s10, $0x1;
	s10 =	sld [smem:$0x3FB4];
	_ =	sdelay $0x3  }
0x37: {  	[smem:$0x3FB4] =	sst s10  }
0x38: {  	s10 =	sld [smem:$0x3FB5]  }
0x39: {  	_ = 	snop;
	(pc) =	sbr.ind lr, $3  }
0x3a: {  	_ = 	snop  }
0x3b: {  	_ = 	snop  }
0x3c: {  	p2 =	seq.s32 s10, $0x1;
	s10 =	sld [smem:$0x3FB4]  }
0x3d: {  	_ =	shalt  }
0x3e: {  	_ =	shalt  }
0x3f: {  	_ =	shalt  }
0x40: {  	_ =	shalt  }
0x41: {  	_ =	shalt  }
0x42: {  	_ =	shalt  }
0x43: {  	_ =	shalt  }
0x44: {  	_ =	shalt  }
0x45: {  	_ =	shalt  }
0x46: {  	_ =	shalt  }
0x47: {  	_ =	shalt  }
0x48: {  	_ =	shalt  }
0x49: {  	_ =	shalt  }
0x4a: {  	_ =	shalt  }
0x4b: {  	_ =	shalt  }
0x4c: {  	_ =	shalt  }
0x4d: {  	_ =	shalt  }
0x4e: {  	_ =	shalt  }
0x4f: {  	_ =	shalt  }
0x50: {  	_ =	shalt  }
0x51: {  	_ =	shalt  }
0x52: {  	_ =	shalt  }
0x53: {  	_ =	shalt  }
0x54: {  	_ =	shalt  }
0x55: {  	_ =	shalt  }
0x56: {  	_ =	shalt  }
0x57: {  	_ =	shalt  }
0x58: {  	_ =	shalt  }
0x59: {  	_ =	shalt  }
0x5a: {  	_ =	shalt  }
0x5b: {  	_ =	shalt  }
0x5c: {  	_ =	shalt  }
0x5d: {  	_ =	shalt  }
0x5e: {  	_ =	shalt  }
0x5f: {  	_ =	shalt  }
0x60: {  	_ =	shalt  }
0x61: {  	_ =	shalt  }
0x62: {  	_ =	shalt  }
0x63: {  	_ =	shalt  }
0x64: {  	_ =	shalt  }
0x65: {  	_ =	shalt  }
0x66: {  	_ =	shalt  }
0x67: {  	_ =	shalt  }
0x68: {  	_ =	shalt  }
0x69: {  	_ =	shalt  }
0x6a: {  	_ =	shalt  }
0x6b: {  	_ =	shalt  }
0x6c: {  	_ =	shalt  }
0x6d: {  	_ =	shalt  }
0x6e: {  	_ =	shalt  }
0x6f: {  	_ =	shalt  }
0x70: {  	_ =	shalt  }
0x71: {  	_ =	shalt  }
0x72: {  	_ =	shalt  }
0x73: {  	_ =	shalt  }
0x74: {  	_ =	shalt  }
0x75: {  	_ =	shalt  }
0x76: {  	_ =	shalt  }
0x77: {  	_ =	shalt  }
0x78: {  	_ =	shalt  }
0x79: {  	_ =	shalt  }
0x7a: {  	_ =	shalt  }
0x7b: {  	_ =	shalt  }
0x7c: {  	_ =	shalt  }
0x7d: {  	_ =	shalt  }
0x7e: {  	_ =	shalt  }
0x7f: {  	_ =	shalt  }
0x80: {  	_ =	shalt  }
0x81: {  	_ =	shalt  }
0x82: {  	_ =	shalt  }
0x83: {  	_ =	shalt  }
0x84: {  	_ =	shalt  }
0x85: {  	_ =	shalt  }
0x86: {  	_ =	shalt  }
0x87: {  	_ =	shalt  }
.Lfunc_end0:
.L_simem_size_0:
called_computation_lowered:
.L_overlay_start_0:
0x88: {  	s2 =	sld [smem:$0x3FD9]  }
0x89: {  	s3 =	sld [smem:$0x3FFE];
	_ =	sdelay $0x1  }
0x8a: {  	s1 =	srdreg.scid  }
0x8b: {  	s0 =	sand.u32 $0x1, s1  }
0x8c: {  	s17 =	sshll.u32 s0, $0xA;
	s2 =	sadd.s32 s3, s2  }
0x8d: {  	s2 =	sadd.s32 s2, s17  }
0x8e: {  	[smem:$0x3FC0] =	sst s2  }
0x8f: {  	_ = 	snop  }
0x90: {  	s2 =	sld [smem:$0x3FC9]  }
0x91: {  	s18 =	sld [smem:$0x3FD0];
	(tm) =	ssettm $0x1  }
0x92: {  	s4 =	sld [smem:$0x3FFB];
	_ =	sdelay $0x3  }
0x93: {  	_ =	strace s4  }
0x94: {  	s4 =	sld [smem:$0x3FFC];
	_ =	sdelay $0x3  }
0x95: {  	_ =	strace s4  }
0x96: {  	s4 =	sld [smem:$0x3FFD];
	_ =	sdelay $0x3  }
0x97: {  	_ =	strace s4  }
0x98: {  	_ =	strace $0x8FFFFFFF  }
0x99: {  	s19 =	sld [smem:$0x3FDB];
	_ =	sdelay $0x1  }
0x9a: {  	s5 =	simm.s32 $_scs_section_size  }
0x9b: {  	s6 =	simm.s32 $_size__tile_overlayer_lowered;
	s7 =	simm.s32 $_tile_overlayer_lowered  }
0x9c: {  	s22 =	simm.s32 $0x1BFF;
	s21 =	sshll.u32 s7, $0x1;
	s4 =	sadd.s32 s5, s19  }
0x9d: {  	s8 =	simm.s32 $0x0;
	s20 =	sshll.u32 s6, $0x1;
	s6 =	sadd.s32 s21, s4  }
0x9e: {  	[timem:s8], [sflag:s22] =	dma.local [hbm:s6], s20  }
0x9f: {  	_ =	swait.ge [sflag:s22], s20  }
0xa0: {  	s5 =	ssub.s32 $0x0, s20;
	[sflag:s22] =	ssyncset.done $0x0  }
0xa1: {  	[sflag:s22] =	ssyncadd.s32 s5;
	_ =	sdelay $0x1  }
0xa2: {  	s23 =	simm.s32 $0x1B8B  }
0xa3: {  	_ =	swait.ge [sflag:s23], $0x1  }
0xa4: {  	[sflag:s23] =	ssyncset.done $0x0  }
0xa5: {  	s25 =	simm.s32 $0x1B8E;
	s24 =	sld [smem:$0x3FFE];
	[sflag:s23] =	ssyncadd.s32 $0xFFFFFFFF  }
0xa6: {  	s26 =	simm.s32 $execute0_lowered;
	[smem:$0x3FD2] =	sst s25  }
0xa7: {  	s6 =	sshll.u32 s26, $0x1;
	_ =	strace $0x80000046;
	[dreg:$0x1] =	wrdreg $0xFFFFFFFF  }
0xa8: {  	s28 =	simm.s32 $_size_execute0_lowered;
	s4 =	sadd.s32 s4, s6;
	[dreg:$0x0] =	wrdreg $0x0  }
0xa9: {  	s6 =	sshll.u32 s28, $0x1;
	[dreg:$0x2] =	wrdreg s4  }
0xaa: {  	[dreg:$0x3] =	wrdreg s6  }
0xab: {  	[dreg:$0x4] =	wrdreg $0xC0  }
0xac: {  	_ =	task [dreg:s8], $0x5FFFF  }
0xad: {  	[dreg:$0x1] =	wrdreg $0xFFFFFFFF  }
0xae: {  	[dreg:$0x0] =	wrdreg $0x60  }
0xaf: {  	[dreg:$0x2] =	wrdreg s2  }
0xb0: {  	[dreg:$0x3] =	wrdreg s18  }
0xb1: {  	[dreg:$0x4] =	wrdreg s24  }
0xb2: {  	[dreg:$0x5] =	wrdreg $0xBC800  }
0xb3: {  	[dreg:$0x6] =	wrdreg $0x158C00  }
0xb4: {  	[dreg:$0x7] =	wrdreg $0x9  }
0xb5: {  	_ =	task.clear_ibuf [dreg:s8], $0x8FFFF;
	_ =	strace $0x90000046  }
0xb6: {  	s29 =	simm.s32 $0x9;
	_ =	strace $0x80000048  }
0xb7: {  	_ =	swait.ge [sflag:s29], $0x1  }
0xb8: {  	[sflag:s29] =	ssyncadd.s32 $0xFFFFFFFF  }
0xb9: {  	_ =	strace $0x90000048  }
0xba: {  	_ =	sfence  }
0xbb: {  	s30 =	sld [smem:$0x0];
	_ =	sdelay $0x2  }
0xbc: {  	s31 =	sshll.u32 s1, $0xD;
	s1 =	sshrl.u32 s1, $0x2  }
0xbd: {  	s3 =	sand.u32 $0x4000, s31;
	s1 =	sadd.s32 s1, s30  }
0xbe: {  	s0 =	sor.u32 s3, s0;
	s1 =	sshll.u32 s1, $0x11  }
0xbf: {  	s0 =	sor.u32 s1, s0  }
0xc0: {  	s0 =	sadd.s32 $0x8F2B, s0  }
0xc1: {  	[sflag:s0] =	ssyncadd.remote.s32 $0x1  }
0xc2: {  	_ =	sfence.sel $0xFFFF  }
0xc3: {  	[dreg:$0x0] =	wrdreg $0xFFFFFFFF;
	(pc) =	sbr.abs _section_cstart, $3  }
0xc4: {  	[dreg:$0x1] =	wrdreg $0xFFFFFFFF  }
0xc5: {  	_ =	task.clear_ibuf [dreg:s8], $0x2FFFF;
	_ =	strace $0x9FFFFFFF  }
0xc6: {  	(tm) =	ssettm $0x7FFFFFFF  }
0xc7: {  	_ =	shalt  }
tec
execute0_lowered:
.L_overlay_start_1:
0x0: {  	(tag) =	ssettag $0x1  }
0x1: {  	s5 =	rddreg [dreg:$0x0]  }
0x2: {  	s8 =	rddreg [dreg:$0x1]  }
0x3: {  	s6 =	rddreg [dreg:$0x2]  }
0x4: {  	s2 =	rddreg [dreg:$0x3]  }
0x5: {  	s3 =	rddreg [dreg:$0x4]  }
0x6: {  	s0 =	rddreg [dreg:$0x5]  }
0x7: {  	s1 =	stileid.u32;
	s7 =	srdreg.scid  }
0x8: {  	s4 =	simm.s32 $0x0;
	s18 =	simm.s32 $0x9C80;
	s9 =	smul.u32 $0x9C8, s1  }
0x9: {  	s19 =	simm.s32 $0x40;
	s20 =	simm.s32 $0x9C40;
	s10 =	smul.u32 $0xA000, s1  }
0xa: {  	s21 =	simm.s32 $0x0;
	s7 =	sand.u32 $0x1, s7;
	s14 =	smul.u32 $0x13880, s1  }
0xb: {  	[smem:$0x7FF] =	sst s4;
	s16 =	smul.u32 $0x27100, s1;
	s31 =	sshll.u32 s1, $0x6  }
0xc: {  	s11 =	smul.u32 $0xA0000, s7;
	_ =	strace $0x80000047;
	s15 =	ssub.s32 $0x2, s7  }
0xd: {  	s7 =	sshll.u32 s7, $0x6;
	s12 =	sadd.s32 s9, s6;
	s13 =	sshrl.u32 s10, $0x3  }
0xe: {  	s26 =	sshrl.u32 s15, $0x1;
	s28 =	sor.u32 s7, s14;
	s29 =	sshrl.u32 s16, $0x2  }
0xf: {  	s17 =	sadd.s32 s10, s3;
	s8 =	sadd.s32 s8, s9;
	s14 =	simm.s32 $0x8  }
0x10: {  	s16 =	simm.s32 $0x2;
	s13 =	sadd.s32 s13, s6;
	s11 =	sadd.s32 s10, s11  }
0x11: {  	s15 =	ssub.s32 s15, s26;
	s30 =	sadd.s32 s29, s2;
	s9 =	sadd.s32 $0x1E00, s12  }
0x12: {  	s17 =	sshrl.u32 s17, $0x3;
	s11 =	sshrl.u32 s11, $0x3;
	s7 =	sadd.s32 $0xBC00, s13  }
0x13: {  	s12 =	sshrl.u32 s30, $0x3;
	s11 =	sadd.s32 s11, s6;
	s6 =	sshrl.u32 s28, $0x3  }
0x14: {  	s13 =	simm.s32 $0x1;
	s5 =	sadd.s32 s5, s6;
	s6 =	sor.u32 $0x1C02, s31  }
0x15: {  	s10 =	sadd.s32 $0x1FC00, s11;
	s11 =	smax.u32 s15, $0x1;
	s15 =	simm.s32 $0x10  }
.LBB2_1:
0x16: {  	[spmem:s12@s14], [sflag:s6] =	dma.strided [hbm:s5@s15], $0x1388, s13, $0x8   }
0x17: {  	_ =	swait.ge [sflag:s16], $0x1388  }
0x18: {  	[sflag:s16] =	ssyncset.done $0x0  }
0x19: {  	[sflag:s16] =	ssyncadd.s32 $0xFFFFEC78  }
0x1a: {  	[spmem:s17], [sflag:s6] =	dma.local [hbm:s7], $0x1400  }
0x1b: {  	_ =	swait.ge [sflag:s16], $0x1400  }
0x1c: {  	[sflag:s16] =	ssyncset.done $0x0  }
0x1d: {  	[sflag:s16] =	ssyncadd.s32 $0xFFFFEC00  }
0x1e: {  	[tilespmem:s4], [sflag:$0x2] =	stream.linear.gather [hbm4b:s8+s4], $0x4E40, $0x38;
	[tilespmem:$0x1F8C0] =	vst v63  }
0x1f: {  	_ =	swait.ge [sflag:s16], $0x4E40  }
0x20: {  	[sflag:s16] =	ssyncset.done $0x0  }
0x21: {  	s22 =	simm.s32 $0x4E40;
	[sflag:s16] =	ssyncadd.s32 $0xFFFFB1C0  }
0x22: {  	[tilespmem:s22], [sflag:$0x2] =	stream.linear.gather [hbm4b:s9+s4], $0x4E40, $0x38;
	[tilespmem:$0x1F8C0] =	vst v63  }
0x23: {  	_ =	swait.ge [sflag:s16], $0x4E40  }
0x24: {  	[sflag:s16] =	ssyncset.done $0x0  }
0x25: {  	[sflag:s16] =	ssyncadd.s32 $0xFFFFB1C0  }
0x26: {  	[bflag:$0x0] =	sbarrier.arrive $0xFFFF  }
0x27: {  	[tilespmem:s18], [sflag:$0x1] =	stream.indirect.gather [spmem:s2], $0x40, s4, s19, $0xb8;
	[tilespmem:$0x1F8C0] =	vst v63  }
0x28: {  	s23 =	simm.s32 $0x0;
	_ =	swait.ge [sflag:s13], $0x1000  }
0x29: {  	s23 =	sand.u32 $0x1000, s23;
	[sflag:s13] =	ssyncset.done $0x0  }
0x2a: {  	s24 =	ssub.s32 $0xAC80, s23;
	[sflag:s13] =	ssyncadd.s32 $0xFFFFF000  }
0x2b: {  	[tilespmem:s24], [sflag:$0x1] =	stream.indirect.gather [spmem:s2], $0x40, s19, s19, $0xb8;
	[tilespmem:$0x1F8C0] =	vst v63  }
0x2c: {  	s23 =	sadd.s32 $0x9C80, s23  }
0x2d: {  	[spmem:s3] =	stream.indirect.scatter.add.f32 [tilespmem:s23], [sflag:$0x2], $0x40, s22, s19, $0xb8;
	[tilespmem:$0x1F8C0] =	vst v63  }
0x2e: {  	_ =	swait.ge [sflag:s16], $0x1000  }
0x2f: {  	s24 =	simm.s32 $0x40;
	s23 =	simm.s32 $0x1;
	[sflag:s16] =	ssyncset.done $0x0  }
.LBB2_2:
0x30: {  	[sflag:s16] =	ssyncadd.s32 $0xFFFFF000;
	s22 =	sadd.s32 $0x40, s22;
	s24 =	sadd.s32 $0x40, s24  }
0x31: {  	p0 =	sne.s32 s23, $0x137;
	s25 =	smov.u32 s23;
	s23 =	sadd.s32 $0x1, s23  }
0x32: {  	s25 =	sshll.u32 s25, $0xC;
	_ =	swait.ge [sflag:s13], $0x1000  }
0x33: {  	s25 =	sand.u32 $0x1000, s25;
	[sflag:s13] =	ssyncset.done $0x0  }
0x34: {  	s26 =	ssub.s32 $0xAC80, s25;
	[sflag:s13] =	ssyncadd.s32 $0xFFFFF000  }
0x35: {  	[tilespmem:s26], [sflag:$0x1] =	stream.indirect.gather [spmem:s2], $0x40, s24, s19, $0xb8;
	[tilespmem:$0x1F8C0] =	vst v63  }
.Ltmp0:
0x36: {  	_ = 	snop;
	(pc) =	sbr.rel @p0 .LBB2_2-.Ltmp0, $4  }
0x37: {  	s25 =	sadd.s32 $0x9C80, s25  }
0x38: {  	[spmem:s3] =	stream.indirect.scatter.add.f32 [tilespmem:s25], [sflag:$0x2], $0x40, s22, s19, $0xb8;
	[tilespmem:$0x1F8C0] =	vst v63  }
0x39: {  	_ =	swait.ge [sflag:s16], $0x1000  }
0x3a: {  	[sflag:s16] =	ssyncset.done $0x0  }
0x3b: {  	[sflag:s16] =	ssyncadd.s32 $0xFFFFF000  }
0x3c: {  	_ =	swait.ge [sflag:s13], $0x1000  }
0x3d: {  	[sflag:s13] =	ssyncset.done $0x0  }
0x3e: {  	[sflag:s13] =	ssyncadd.s32 $0xFFFFF000  }
0x3f: {  	[spmem:s3] =	stream.indirect.scatter.add.f32 [tilespmem:s18], [sflag:$0x2], $0x40, s20, s19, $0xb8;
	[tilespmem:$0x1F8C0] =	vst v63  }
0x40: {  	_ =	swait.ge [sflag:s16], $0x1000  }
0x41: {  	s21 =	sadd.s32 $0x1, s21;
	[sflag:s16] =	ssyncset.done $0x0  }
0x42: {  	p0 =	sne.s32 s21, s11;
	[sflag:s16] =	ssyncadd.s32 $0xFFFFF000  }
.Ltmp1:
0x43: {  	[bflag:$0x0] =	sbarrier.arrive $0xFFFF;
	(pc) =	sbr.rel @p0 .LBB2_1-.Ltmp1, $4  }
0x44: {  	[hbm:s10], [sflag:s6] =	dma.local [spmem:s17], $0x1400  }
0x45: {  	_ =	swait.ge [sflag:s16], $0x1400  }
0x46: {  	[sflag:s16] =	ssyncset.done $0x0  }
0x47: {  	[sflag:s16] =	ssyncadd.s32 $0xFFFFEC00  }
0x48: {  	_ =	sfence.sel $0x180000  }
0x49: {  	[bflag:$0x0] =	sbarrier.arrive $0xFFFF  }
0x4a: {  	p0 =	sne.s32 s1, $0x0;
	_ =	strace $0x90000047  }
0x4b: {  	s0 =	sadd.s32 @!p0 $0x100000, s0;
	[bflag:$0x2] =	sbarrier.arrive $0xFFFF  }
0x4c: {  	[sflag:s0] =	ssyncadd.tile.s32 @!p0 $0x1;
	_ =	shalt  }
.Lfunc_end2:
_tile_overlayer_lowered:
.L_overlay_start_2:
0x4d: {  	(tag) =	ssettag $0x2  }
0x4e: {  	s0 =	rddreg [dreg:$0x0];
	s2 =	stileid.u32  }
0x4f: {  	s1 =	rddreg [dreg:$0x1];
	p0 =	sne.s32 s2, $0x0  }
0x50: {  	s3 =	rddreg [dreg:$0x2];
	[bflag:$0x3] =	sbarrier.arrive $0xFFFF;
	s2 =	simm.s32 @!p0 $0x1C02  }
0x51: {  	[timem:s3], [sflag:s2] =	dma.local @!p0 [hbm:s0], s1  }
0x52: {  	s0 =	simm.s32 @!p0 $0x2  }
0x53: {  	_ =	swait.ge @!p0 [sflag:s0], s1  }
0x54: {  	s1 =	ssub.s32 @!p0 $0x0, s1;
	[sflag:s0] =	ssyncset.done @!p0 $0x0  }
0x55: {  	[sflag:s0] =	ssyncadd.s32 @!p0 s1  }
0x56: {  	[bflag:$0x3] =	sbarrier.arrive $0xFFFF  }
0x57: {  	_ =	shalt  }

// kernel: kernel.9.cloned.1.call-start
scs
__scs_entry_jumppad:
0x0: {  	(pc) =	sbr.rel $0x88, $3  }
0x1: {  	(tag) =	ssettag $0x0;
	lr =	simm.s32 $0x1  }
0x2: {  	[smem:$0x3F99] =	sst lr;
	_ =	strace $0xD0000000  }
0x3: {  	_ = 	snop  }
0x4: {  	_ = 	snop  }
0x5: {  	_ = 	snop  }
0x6: {  	_ = 	snop  }
0x7: {  	_ = 	snop  }
__scs_overlays_trampoline_lowered:
0x8: {  	[smem:$0x3FA8] =	sst s0  }
0x9: {  	[smem:$0x3FA9] =	sst s1  }
0xa: {  	[smem:$0x3FAA] =	sst s2  }
0xb: {  	[smem:$0x3FAB] =	sst s3  }
0xc: {  	[smem:$0x3FAC] =	sst s4  }
0xd: {  	[smem:$0x3FAD] =	sst s5  }
0xe: {  	[smem:$0x3FAE] =	sst s6  }
0xf: {  	[smem:$0x3FAF] =	sst s7  }
0x10: {  	[smem:$0x3FB0] =	sst s8  }
0x11: {  	[smem:$0x3FB1] =	sst s9;
	s0 =	simm.s32 @!p0 $0x0  }
0x12: {  	s1 =	sld [smem:$0x3F97];
	s0 =	simm.s32 @p0 $0x1  }
0x13: {  	[smem:$0x3FB2] =	sst s0;
	s0 =	simm.s32 @!p1 $0x0  }
0x14: {  	s2 =	sld [smem:$0x3F96];
	s0 =	simm.s32 @p1 $0x1  }
0x15: {  	[smem:$0x3FB3] =	sst s0;
	s0 =	simm.s32 @!p2 $0x0  }
0x16: {  	s3 =	sld [smem:$0x3FDB];
	s0 =	simm.s32 @p2 $0x1  }
0x17: {  	s4 =	simm.s32 $0x1BF5;
	[smem:$0x3FB5] =	sst s0  }
0x18: {  	s0 =	sld [smem:$0x3F98];
	_ =	swait.ge [sflag:s4], $0x0  }
0x19: {  	s7 =	sld [smem:$0x3F99]  }
0x1a: {  	s8 =	sadd.s32 $0xFFFFE003, lr  }
0x1b: {  	s9 =	sadd.s32 $0xFFFFFEF7, lr;
	s5 =	simm.s32 $0xFFFFFFFF;
	p2 =	slt.u32 s8, $0xFFFFF086  }
0x1c: {  	p1 =	slt.u32 s9, $0xF7A;
	s5 =	simm.s32 @!p2 $0x0  }
0x1d: {  	s5 =	simm.s32 @p1 $0x1;
	p0 =	seq.s32 s7, s2  }
0x1e: {  	s7 =	smul.u32 @!p0 $0xF7A, s2;
	p2 =	seq.s32 @!p0 s5, $0x0  }
0x1f: {  	s9 =	smul.u32 $0xF7A, s1;
	s8 =	simm.s32 @!p0 $0x1BF5;
	p2 =	por !p2, p0  }
0x20: {  	[sflag:s8] =	ssyncset.s32 @!p0 $0xFFFFF086;
	s6 =	sadd.s32 @!p0 s3, s7;
	s7 =	simm.s32 @!p0 $0x108  }
0x21: {  	s3 =	sadd.s32 s3, s9;
	s6 =	sadd.s32 @!p0 $0x88, s6;
	s7 =	simm.s32 @p2 $0x1082  }
0x22: {  	[simem:s7], [sflag:s8] =	dma.local @!p0 [hbm:s6], $0xF7A  }
0x23: {  	s9 =	sor.u32 $0xD0000000, s2;
	s6 =	simm.s32 $0x108;
	_ =	swait.ge @!p0 [sflag:s8], $0x0  }
0x24: {  	s3 =	sadd.s32 $0x88, s3;
	s6 =	simm.s32 @!p1 $0x1082;
	[sflag:s4] =	ssyncset.s32 $0xFFFFF086  }
0x25: {  	[simem:s6], [sflag:s4] =	dma.local [hbm:s3], $0xF7A  }
0x26: {  	[smem:$0x3F99] =	sst s1;
	(tag) =	ssettag s2;
	_ =	strace s9  }
0x27: {  	s1 =	sld [smem:$0x3FA9]  }
0x28: {  	s2 =	sld [smem:$0x3FAA]  }
0x29: {  	s4 =	sld [smem:$0x3FAC]  }
0x2a: {  	p0 =	seq.s32 s5, $0x0;
	s5 =	sld [smem:$0x3FAD]  }
0x2b: {  	s6 =	sld [smem:$0x3FAE]  }
0x2c: {  	s7 =	sld [smem:$0x3FAF]  }
0x2d: {  	s3 =	simm.s32 $0x108;
	s8 =	sld [smem:$0x3FB0]  }
0x2e: {  	s3 =	simm.s32 @!p0 $0x1082;
	s9 =	sld [smem:$0x3FB1]  }
0x2f: {  	lr =	sadd.s32 s0, s3;
	s0 =	sld [smem:$0x3FA8]  }
0x30: {  	s3 =	sld [smem:$0x3FAB]  }
0x31: {  	[smem:$0x3FB4] =	sst s10  }
0x32: {  	s10 =	sld [smem:$0x3FB2];
	_ =	sdelay $0x3  }
0x33: {  	p0 =	seq.s32 s10, $0x1;
	s10 =	sld [smem:$0x3FB4];
	_ =	sdelay $0x3  }
0x34: {  	[smem:$0x3FB4] =	sst s10  }
0x35: {  	s10 =	sld [smem:$0x3FB3];
	_ =	sdelay $0x3  }
0x36: {  	p1 =	seq.s32 s10, $0x1;
	s10 =	sld [smem:$0x3FB4];
	_ =	sdelay $0x3  }
0x37: {  	[smem:$0x3FB4] =	sst s10  }
0x38: {  	s10 =	sld [smem:$0x3FB5]  }
0x39: {  	_ = 	snop;
	(pc) =	sbr.ind lr, $3  }
0x3a: {  	_ = 	snop  }
0x3b: {  	_ = 	snop  }
0x3c: {  	p2 =	seq.s32 s10, $0x1;
	s10 =	sld [smem:$0x3FB4]  }
0x3d: {  	_ =	shalt  }
0x3e: {  	_ =	shalt  }
0x3f: {  	_ =	shalt  }
0x40: {  	_ =	shalt  }
0x41: {  	_ =	shalt  }
0x42: {  	_ =	shalt  }
0x43: {  	_ =	shalt  }
0x44: {  	_ =	shalt  }
0x45: {  	_ =	shalt  }
0x46: {  	_ =	shalt  }
0x47: {  	_ =	shalt  }
0x48: {  	_ =	shalt  }
0x49: {  	_ =	shalt  }
0x4a: {  	_ =	shalt  }
0x4b: {  	_ =	shalt  }
0x4c: {  	_ =	shalt  }
0x4d: {  	_ =	shalt  }
0x4e: {  	_ =	shalt  }
0x4f: {  	_ =	shalt  }
0x50: {  	_ =	shalt  }
0x51: {  	_ =	shalt  }
0x52: {  	_ =	shalt  }
0x53: {  	_ =	shalt  }
0x54: {  	_ =	shalt  }
0x55: {  	_ =	shalt  }
0x56: {  	_ =	shalt  }
0x57: {  	_ =	shalt  }
0x58: {  	_ =	shalt  }
0x59: {  	_ =	shalt  }
0x5a: {  	_ =	shalt  }
0x5b: {  	_ =	shalt  }
0x5c: {  	_ =	shalt  }
0x5d: {  	_ =	shalt  }
0x5e: {  	_ =	shalt  }
0x5f: {  	_ =	shalt  }
0x60: {  	_ =	shalt  }
0x61: {  	_ =	shalt  }
0x62: {  	_ =	shalt  }
0x63: {  	_ =	shalt  }
0x64: {  	_ =	shalt  }
0x65: {  	_ =	shalt  }
0x66: {  	_ =	shalt  }
0x67: {  	_ =	shalt  }
0x68: {  	_ =	shalt  }
0x69: {  	_ =	shalt  }
0x6a: {  	_ =	shalt  }
0x6b: {  	_ =	shalt  }
0x6c: {  	_ =	shalt  }
0x6d: {  	_ =	shalt  }
0x6e: {  	_ =	shalt  }
0x6f: {  	_ =	shalt  }
0x70: {  	_ =	shalt  }
0x71: {  	_ =	shalt  }
0x72: {  	_ =	shalt  }
0x73: {  	_ =	shalt  }
0x74: {  	_ =	shalt  }
0x75: {  	_ =	shalt  }
0x76: {  	_ =	shalt  }
0x77: {  	_ =	shalt  }
0x78: {  	_ =	shalt  }
0x79: {  	_ =	shalt  }
0x7a: {  	_ =	shalt  }
0x7b: {  	_ =	shalt  }
0x7c: {  	_ =	shalt  }
0x7d: {  	_ =	shalt  }
0x7e: {  	_ =	shalt  }
0x7f: {  	_ =	shalt  }
0x80: {  	_ =	shalt  }
0x81: {  	_ =	shalt  }
0x82: {  	_ =	shalt  }
0x83: {  	_ =	shalt  }
0x84: {  	_ =	shalt  }
0x85: {  	_ =	shalt  }
0x86: {  	_ =	shalt  }
0x87: {  	_ =	shalt  }
.Lfunc_end0:
.L_simem_size_0:
called_computation.1_lowered:
.L_overlay_start_0:
0x88: {  	s2 =	sld [smem:$0x3FD9]  }
0x89: {  	s3 =	sld [smem:$0x3FFE];
	_ =	sdelay $0x1  }
0x8a: {  	s1 =	srdreg.scid  }
0x8b: {  	s0 =	sand.u32 $0x1, s1  }
0x8c: {  	s17 =	sshll.u32 s0, $0xA;
	s2 =	sadd.s32 s3, s2  }
0x8d: {  	s2 =	sadd.s32 s2, s17  }
0x8e: {  	[smem:$0x3FC0] =	sst s2  }
0x8f: {  	_ = 	snop  }
0x90: {  	s2 =	sld [smem:$0x3FD0];
	(tm) =	ssettm $0x1  }
0x91: {  	s18 =	sld [smem:$0x3FFB];
	_ =	sdelay $0x3  }
0x92: {  	_ =	strace s18  }
0x93: {  	s3 =	sld [smem:$0x3FFC];
	_ =	sdelay $0x3  }
0x94: {  	_ =	strace s3  }
0x95: {  	s3 =	sld [smem:$0x3FFD];
	_ =	sdelay $0x3  }
0x96: {  	_ =	strace s3  }
0x97: {  	_ =	strace $0x8FFFFFFF  }
0x98: {  	s19 =	sld [smem:$0x3FDB];
	_ =	sdelay $0x1  }
0x99: {  	s4 =	simm.s32 $_scs_section_size  }
0x9a: {  	s5 =	simm.s32 $_size__tile_overlayer_lowered;
	s6 =	simm.s32 $_tile_overlayer_lowered  }
0x9b: {  	s22 =	simm.s32 $0x1BFF;
	s21 =	sshll.u32 s6, $0x1;
	s3 =	sadd.s32 s4, s19  }
0x9c: {  	s7 =	simm.s32 $0x0;
	s20 =	sshll.u32 s5, $0x1;
	s5 =	sadd.s32 s21, s3  }
0x9d: {  	[timem:s7], [sflag:s22] =	dma.local [hbm:s5], s20  }
0x9e: {  	_ =	swait.ge [sflag:s22], s20  }
0x9f: {  	s4 =	ssub.s32 $0x0, s20;
	[sflag:s22] =	ssyncset.done $0x0  }
0xa0: {  	[sflag:s22] =	ssyncadd.s32 s4;
	_ =	sdelay $0x1  }
0xa1: {  	s23 =	simm.s32 $0x1B8B  }
0xa2: {  	_ =	swait.ge [sflag:s23], $0x1  }
0xa3: {  	[sflag:s23] =	ssyncset.done $0x0  }
0xa4: {  	s25 =	simm.s32 $0x1B8E;
	s24 =	sld [smem:$0x3FFE];
	[sflag:s23] =	ssyncadd.s32 $0xFFFFFFFF  }
0xa5: {  	s26 =	simm.s32 $execute0_lowered;
	[smem:$0x3FD2] =	sst s25  }
0xa6: {  	s5 =	sshll.u32 s26, $0x1;
	_ =	strace $0x80000049;
	[dreg:$0x1] =	wrdreg $0xFFFFFFFF  }
0xa7: {  	s28 =	simm.s32 $_size_execute0_lowered;
	s3 =	sadd.s32 s3, s5;
	[dreg:$0x0] =	wrdreg $0x0  }
0xa8: {  	s5 =	sshll.u32 s28, $0x1;
	[dreg:$0x2] =	wrdreg s3  }
0xa9: {  	[dreg:$0x3] =	wrdreg s5  }
0xaa: {  	[dreg:$0x4] =	wrdreg $0xC0  }
0xab: {  	_ =	task [dreg:s7], $0x5FFFF  }
0xac: {  	[dreg:$0x1] =	wrdreg $0xFFFFFFFF  }
0xad: {  	[dreg:$0x0] =	wrdreg $0x60  }
0xae: {  	[dreg:$0x2] =	wrdreg s24  }
0xaf: {  	[dreg:$0x3] =	wrdreg s2  }
0xb0: {  	[dreg:$0x4] =	wrdreg $0xBC800  }
0xb1: {  	[dreg:$0x5] =	wrdreg $0x158C00  }
0xb2: {  	[dreg:$0x6] =	wrdreg $0x9  }
0xb3: {  	_ =	task.clear_ibuf [dreg:s7], $0x7FFFF;
	_ =	strace $0x90000049  }
0xb4: {  	s29 =	simm.s32 $0x9;
	_ =	strace $0x8000004B  }
0xb5: {  	_ =	swait.ge [sflag:s29], $0x1  }
0xb6: {  	[sflag:s29] =	ssyncadd.s32 $0xFFFFFFFF  }
0xb7: {  	_ =	strace $0x9000004B  }
0xb8: {  	_ =	sfence  }
0xb9: {  	s30 =	sld [smem:$0x0];
	_ =	sdelay $0x2  }
0xba: {  	s31 =	sshll.u32 s1, $0xD;
	s1 =	sshrl.u32 s1, $0x2  }
0xbb: {  	s3 =	sand.u32 $0x4000, s31;
	s1 =	sadd.s32 s1, s30  }
0xbc: {  	s0 =	sor.u32 s3, s0;
	s1 =	sshll.u32 s1, $0x11  }
0xbd: {  	s0 =	sor.u32 s1, s0  }
0xbe: {  	s0 =	sadd.s32 $0x8F2B, s0  }
0xbf: {  	[sflag:s0] =	ssyncadd.remote.s32 $0x1  }
0xc0: {  	_ =	sfence.sel $0xFFFF  }
0xc1: {  	[dreg:$0x0] =	wrdreg $0xFFFFFFFF;
	(pc) =	sbr.abs _section_cstart, $3  }
0xc2: {  	[dreg:$0x1] =	wrdreg $0xFFFFFFFF  }
0xc3: {  	_ =	task.clear_ibuf [dreg:s7], $0x2FFFF;
	_ =	strace $0x9FFFFFFF  }
0xc4: {  	(tm) =	ssettm $0x7FFFFFFF  }
0xc5: {  	_ =	shalt  }
tec
execute0_lowered:
.L_overlay_start_1:
0x0: {  	(tag) =	ssettag $0x1  }
0x1: {  	s5 =	rddreg [dreg:$0x0]  }
0x2: {  	s8 =	rddreg [dreg:$0x1]  }
0x3: {  	s2 =	rddreg [dreg:$0x2]  }
0x4: {  	s1 =	srdreg.scid;
	s0 =	stileid.u32  }
0x5: {  	s3 =	rddreg [dreg:$0x3];
	s4 =	simm.s32 $0x0;
	s16 =	simm.s32 $0x2  }
0x6: {  	s18 =	simm.s32 $0x9C80;
	s19 =	simm.s32 $0x40;
	s7 =	smul.u32 $0x13880, s0  }
0x7: {  	s20 =	simm.s32 $0x9C40;
	s21 =	simm.s32 $0x0;
	s10 =	smul.u32 $0x9C8, s0  }
0x8: {  	s6 =	sand.u32 $0x1, s1;
	s1 =	rddreg [dreg:$0x4];
	s29 =	smul.u32 $0xA000, s0  }
0x9: {  	[smem:$0x7FF] =	sst s4;
	s14 =	smul.u32 $0x27100, s0;
	s31 =	sshll.u32 s0, $0x6  }
0xa: {  	s9 =	sshll.u32 s6, $0x6;
	s11 =	smul.u32 $0xA0000, s6;
	_ =	strace $0x8000004A  }
0xb: {  	s6 =	ssub.s32 $0x2, s6;
	s7 =	sor.u32 s9, s7;
	s12 =	sadd.s32 s10, s5  }
0xc: {  	s13 =	sshrl.u32 s29, $0x3;
	s30 =	sshrl.u32 s6, $0x1;
	s14 =	sshrl.u32 s14, $0x2  }
0xd: {  	s17 =	sadd.s32 s29, s3;
	s8 =	sadd.s32 s8, s10;
	s7 =	sshrl.u32 s7, $0x3  }
0xe: {  	s11 =	sadd.s32 s29, s11;
	s13 =	sadd.s32 s13, s5;
	s15 =	ssub.s32 s6, s30  }
0xf: {  	s14 =	sadd.s32 s14, s2;
	s6 =	sor.u32 $0x1C02, s31;
	s9 =	sadd.s32 $0x1E00, s12  }
0x10: {  	s17 =	sshrl.u32 s17, $0x3;
	s7 =	sadd.s32 s7, s5;
	s11 =	sshrl.u32 s11, $0x3  }
0x11: {  	s12 =	sshrl.u32 s14, $0x3;
	s14 =	simm.s32 $0x8;
	s11 =	sadd.s32 s11, s5  }
0x12: {  	s5 =	sadd.s32 $0x1FC00, s7;
	s7 =	sadd.s32 $0xBC00, s13;
	s13 =	simm.s32 $0x1  }
0x13: {  	s10 =	sadd.s32 $0x46E00, s11;
	s11 =	smax.u32 s15, $0x1;
	s15 =	simm.s32 $0x10  }
.LBB2_1:
0x14: {  	[spmem:s12@s14], [sflag:s6] =	dma.strided [hbm:s5@s15], $0x1388, s13, $0x8   }
0x15: {  	_ =	swait.ge [sflag:s16], $0x1388  }
0x16: {  	[sflag:s16] =	ssyncset.done $0x0  }
0x17: {  	[sflag:s16] =	ssyncadd.s32 $0xFFFFEC78  }
0x18: {  	[spmem:s17], [sflag:s6] =	dma.local [hbm:s7], $0x1400  }
0x19: {  	_ =	swait.ge [sflag:s16], $0x1400  }
0x1a: {  	[sflag:s16] =	ssyncset.done $0x0  }
0x1b: {  	[sflag:s16] =	ssyncadd.s32 $0xFFFFEC00  }
0x1c: {  	[tilespmem:s4], [sflag:$0x2] =	stream.linear.gather [hbm4b:s8+s4], $0x4E40, $0x38;
	[tilespmem:$0x1F8C0] =	vst v63  }
0x1d: {  	_ =	swait.ge [sflag:s16], $0x4E40  }
0x1e: {  	[sflag:s16] =	ssyncset.done $0x0  }
0x1f: {  	s22 =	simm.s32 $0x4E40;
	[sflag:s16] =	ssyncadd.s32 $0xFFFFB1C0  }
0x20: {  	[tilespmem:s22], [sflag:$0x2] =	stream.linear.gather [hbm4b:s9+s4], $0x4E40, $0x38;
	[tilespmem:$0x1F8C0] =	vst v63  }
0x21: {  	_ =	swait.ge [sflag:s16], $0x4E40  }
0x22: {  	[sflag:s16] =	ssyncset.done $0x0  }
0x23: {  	[sflag:s16] =	ssyncadd.s32 $0xFFFFB1C0  }
0x24: {  	[bflag:$0x0] =	sbarrier.arrive $0xFFFF  }
0x25: {  	[tilespmem:s18], [sflag:$0x1] =	stream.indirect.gather [spmem:s2], $0x40, s4, s19, $0xb8;
	[tilespmem:$0x1F8C0] =	vst v63  }
0x26: {  	s23 =	simm.s32 $0x0;
	_ =	swait.ge [sflag:s13], $0x1000  }
0x27: {  	s23 =	sand.u32 $0x1000, s23;
	[sflag:s13] =	ssyncset.done $0x0  }
0x28: {  	s24 =	ssub.s32 $0xAC80, s23;
	[sflag:s13] =	ssyncadd.s32 $0xFFFFF000  }
0x29: {  	[tilespmem:s24], [sflag:$0x1] =	stream.indirect.gather [spmem:s2], $0x40, s19, s19, $0xb8;
	[tilespmem:$0x1F8C0] =	vst v63  }
0x2a: {  	s23 =	sadd.s32 $0x9C80, s23  }
0x2b: {  	[spmem:s3] =	stream.indirect.scatter.add.f32 [tilespmem:s23], [sflag:$0x2], $0x40, s22, s19, $0xb8;
	[tilespmem:$0x1F8C0] =	vst v63  }
0x2c: {  	_ =	swait.ge [sflag:s16], $0x1000  }
0x2d: {  	s24 =	simm.s32 $0x40;
	s23 =	simm.s32 $0x1;
	[sflag:s16] =	ssyncset.done $0x0  }
.LBB2_2:
0x2e: {  	[sflag:s16] =	ssyncadd.s32 $0xFFFFF000;
	s22 =	sadd.s32 $0x40, s22;
	s24 =	sadd.s32 $0x40, s24  }
0x2f: {  	p0 =	sne.s32 s23, $0x137;
	s25 =	smov.u32 s23;
	s23 =	sadd.s32 $0x1, s23  }
0x30: {  	s25 =	sshll.u32 s25, $0xC;
	_ =	swait.ge [sflag:s13], $0x1000  }
0x31: {  	s25 =	sand.u32 $0x1000, s25;
	[sflag:s13] =	ssyncset.done $0x0  }
0x32: {  	s26 =	ssub.s32 $0xAC80, s25;
	[sflag:s13] =	ssyncadd.s32 $0xFFFFF000  }
0x33: {  	[tilespmem:s26], [sflag:$0x1] =	stream.indirect.gather [spmem:s2], $0x40, s24, s19, $0xb8;
	[tilespmem:$0x1F8C0] =	vst v63  }
.Ltmp0:
0x34: {  	_ = 	snop;
	(pc) =	sbr.rel @p0 .LBB2_2-.Ltmp0, $4  }
0x35: {  	s25 =	sadd.s32 $0x9C80, s25  }
0x36: {  	[spmem:s3] =	stream.indirect.scatter.add.f32 [tilespmem:s25], [sflag:$0x2], $0x40, s22, s19, $0xb8;
	[tilespmem:$0x1F8C0] =	vst v63  }
0x37: {  	_ =	swait.ge [sflag:s16], $0x1000  }
0x38: {  	[sflag:s16] =	ssyncset.done $0x0  }
0x39: {  	[sflag:s16] =	ssyncadd.s32 $0xFFFFF000  }
0x3a: {  	_ =	swait.ge [sflag:s13], $0x1000  }
0x3b: {  	[sflag:s13] =	ssyncset.done $0x0  }
0x3c: {  	[sflag:s13] =	ssyncadd.s32 $0xFFFFF000  }
0x3d: {  	[spmem:s3] =	stream.indirect.scatter.add.f32 [tilespmem:s18], [sflag:$0x2], $0x40, s20, s19, $0xb8;
	[tilespmem:$0x1F8C0] =	vst v63  }
0x3e: {  	_ =	swait.ge [sflag:s16], $0x1000  }
0x3f: {  	s21 =	sadd.s32 $0x1, s21;
	[sflag:s16] =	ssyncset.done $0x0  }
0x40: {  	p0 =	sne.s32 s21, s11;
	[sflag:s16] =	ssyncadd.s32 $0xFFFFF000  }
.Ltmp1:
0x41: {  	[bflag:$0x0] =	sbarrier.arrive $0xFFFF;
	(pc) =	sbr.rel @p0 .LBB2_1-.Ltmp1, $4  }
0x42: {  	[hbm:s10], [sflag:s6] =	dma.local [spmem:s17], $0x1400  }
0x43: {  	_ =	swait.ge [sflag:s16], $0x1400  }
0x44: {  	[sflag:s16] =	ssyncset.done $0x0  }
0x45: {  	[sflag:s16] =	ssyncadd.s32 $0xFFFFEC00  }
0x46: {  	_ =	sfence.sel $0x180000  }
0x47: {  	[bflag:$0x0] =	sbarrier.arrive $0xFFFF  }
0x48: {  	p0 =	sne.s32 s0, $0x0;
	_ =	strace $0x9000004A  }
0x49: {  	s0 =	sadd.s32 @!p0 $0x100000, s1;
	[bflag:$0x2] =	sbarrier.arrive $0xFFFF  }
0x4a: {  	[sflag:s0] =	ssyncadd.tile.s32 @!p0 $0x1;
	_ =	shalt  }
.Lfunc_end2:
_tile_overlayer_lowered:
.L_overlay_start_2:
0x4b: {  	(tag) =	ssettag $0x2  }
0x4c: {  	s0 =	rddreg [dreg:$0x0];
	s2 =	stileid.u32  }
0x4d: {  	s1 =	rddreg [dreg:$0x1];
	p0 =	sne.s32 s2, $0x0  }
0x4e: {  	s3 =	rddreg [dreg:$0x2];
	[bflag:$0x3] =	sbarrier.arrive $0xFFFF;
	s2 =	simm.s32 @!p0 $0x1C02  }
0x4f: {  	[timem:s3], [sflag:s2] =	dma.local @!p0 [hbm:s0], s1  }
0x50: {  	s0 =	simm.s32 @!p0 $0x2  }
0x51: {  	_ =	swait.ge @!p0 [sflag:s0], s1  }
0x52: {  	s1 =	ssub.s32 @!p0 $0x0, s1;
	[sflag:s0] =	ssyncset.done @!p0 $0x0  }
0x53: {  	[sflag:s0] =	ssyncadd.s32 @!p0 s1  }
0x54: {  	[bflag:$0x3] =	sbarrier.arrive $0xFFFF  }
0x55: {  	_ =	shalt  }

</sc_bundles>
